<compile_context>
chip_gen: v7x
topology: tpu7x:2x2x1
jax: 0.10.2.dev20260603
libtpu: 0.0.44.dev20260713+nightly
codegen_flags: <defaults>
</compile_context>

<pallas_src>
import functools

import jax
import jax.numpy as jnp
from jax import lax
from jax.experimental import pallas as pl
from jax.experimental.pallas import tpu as pltpu
from jax.experimental.pallas import tpu_sc as plsc

NUM_CORES = 2
NUM_SUBCORES = 16
NW = NUM_CORES * NUM_SUBCORES

ROWS_PER_CHUNK = 8


def _make_gather(N, H, V, D):
    assert N % (NW * 2 * ROWS_PER_CHUNK) == 0
    rows_per_w = N // NW
    n_chunks = rows_per_w // ROWS_PER_CHUNK
    chunk = ROWS_PER_CHUNK * H

    mesh = plsc.VectorSubcoreMesh(
        core_axis_name="c", subcore_axis_name="s", num_cores=NUM_CORES
    )

    @functools.partial(
        pl.kernel,
        mesh=mesh,
        out_type=jax.ShapeDtypeStruct((N, H, D), jnp.float32),
        scratch_types=[
            pltpu.VMEM((2, chunk), jnp.int32),
            pltpu.VMEM((2, ROWS_PER_CHUNK, H, D), jnp.float32),
            pltpu.SemaphoreType.DMA((2,)),
            pltpu.SemaphoreType.DMA((2, ROWS_PER_CHUNK)),
            pltpu.SemaphoreType.DMA((2,)),
        ],
        compiler_params=pltpu.CompilerParams(use_tc_tiling_on_sc=False),
    )
    def gather_kernel(idx_hbm, tbl_hbm, out_hbm, idx_v, rows_v, isem, gsem, osem):
        wid = lax.axis_index("s") * NUM_CORES + lax.axis_index("c")
        w_base = wid * rows_per_w * H
        r_base = wid * rows_per_w

        def idx_copy(j, b):
            return pltpu.make_async_copy(
                idx_hbm.at[pl.ds(w_base + j * chunk, chunk)], idx_v.at[b], isem.at[b]
            )

        def gather_copy(b, k):
            return pltpu.make_async_copy(
                tbl_hbm.at[idx_v.at[b, pl.ds(k * H, H)]],
                rows_v.at[b, k],
                gsem.at[b, k],
            )

        def out_copy(j, b):
            return pltpu.make_async_copy(
                rows_v.at[b],
                out_hbm.at[pl.ds(r_base + j * ROWS_PER_CHUNK, ROWS_PER_CHUNK)],
                osem.at[b],
            )

        idx_copy(0, 0).start()
        idx_copy(1, 1).start()

        def body(t, carry):
            for b in (0, 1):
                j = 2 * t + b
                idx_copy(j, b).wait()

                @pl.when(j >= 2)
                def _():
                    out_copy(j - 2, b).wait()

                for k in range(ROWS_PER_CHUNK):
                    gather_copy(b, k).start()
                for k in range(ROWS_PER_CHUNK):
                    gather_copy(b, k).wait()

                @pl.when(j + 2 < n_chunks)
                def _():
                    idx_copy(j + 2, b).start()

                out_copy(j, b).start()
            return carry

        lax.fori_loop(0, n_chunks // 2, body, 0)
        out_copy(n_chunks - 2, 0).wait()
        out_copy(n_chunks - 1, 1).wait()

    return gather_kernel


def kernel(x, w):
    N, H = x.shape
    V, D = w.shape
    xf = x.reshape(N * H)
    return _make_gather(N, H, V, D)(xf, w)

# --- scband reference (transcript-rebuilt; emitter-appended) ---
"""Pipeline reference for scband-manifold-embedding-36541581754395 (READ-ONLY COPY).

The authoritative reference and input builder live on the scoring server;
editing this copy changes nothing except your own understanding.
"""

import jax, jax.numpy as jnp
import numpy as np

NUM_EMBEDDINGS = 1000000
EMBEDDING_DIM = 32
BATCH = 16384
HIST_LEN = 200


def setup_inputs(seed: int = 0) -> dict:
    key = jax.random.key(seed)
    k1, k2 = jax.random.split(key)
    x = jax.random.randint(k1, (BATCH, HIST_LEN), 0, NUM_EMBEDDINGS, dtype=jnp.int32)
    # ManifoldParameter initialized with normal(std=0.25) then Euclidean retraction
    # (retr(0, u) = 0 + u for the Euclidean manifold, i.e. identity here).
    w = jax.random.normal(k2, (NUM_EMBEDDINGS, EMBEDDING_DIM), dtype=jnp.float32) * 0.25
    return {"x": x, "w": w}


def reference(x, w):
    # Faithful translation of ManifoldEmbedding.forward:
    #   s0 = x.shape; ws = self.w[x.view(-1)]; return ws.view(*s0, embedding_dim)
    s0 = x.shape
    ws = jnp.take(w, x.reshape(-1), axis=0)
    return ws.reshape(*s0, w.shape[-1])

if __name__ == "__main__":
    import jax
    _d = setup_inputs()
    print(jax.jit(kernel)(*tuple(_d.values())))

</pallas_src>

<mosaic_0001>
#map = affine_map<(d0, d1) -> (0)>
#map1 = affine_map<(d0, d1) -> (0, 0)>
#map2 = affine_map<(d0, d1) -> (0, 0, 0)>
module attributes {stable_mosaic.version = 14 : i64} {
  func.func @gather_kernel(%arg0: i32, %arg1: i32, %arg2: memref<3276800xi32, #tpu.memory_space<hbm>>, %arg3: memref<1000000x32xf32, #tpu.memory_space<hbm>>, %arg4: memref<16384x200x32xf32, #tpu.memory_space<hbm>>, %arg5: memref<2x1600xi32, #tpu.memory_space<vmem>>, %arg6: memref<2x8x200x32xf32, #tpu.memory_space<vmem>>, %arg7: memref<2x!tpu.dma_semaphore, #tpu.memory_space<semaphore_mem>>, %arg8: memref<2x8x!tpu.dma_semaphore, #tpu.memory_space<semaphore_mem>>, %arg9: memref<2x!tpu.dma_semaphore, #tpu.memory_space<semaphore_mem>>) attributes {dimension_semantics = [#tpu.dimension_semantics<core_parallel>, #tpu.dimension_semantics<subcore_parallel>], iteration_bounds = array<i64: 2, 16>, scalar_prefetch = 0 : i64, scratch_operands = 5 : i64, tpu.core_type = #tpu.core_type<sc_vector_subcore>, window_params = [{transform_indices = #map}, {transform_indices = #map1}, {transform_indices = #map2}]} {
    %mul3A = arith.constant 2 : i32
    %mul3A_0 = arith.muli %arg1, %mul3A : i32
    %add3A = arith.addi %mul3A_0, %arg0 : i32
    %mul3A_1 = arith.constant 512 : i32
    %mul3A_2 = arith.muli %add3A, %mul3A_1 : i32
    %mul3A_3 = arith.constant 200 : i32
    %mul3A_4 = arith.muli %mul3A_2, %mul3A_3 : i32
    %mul3A_5 = arith.constant 512 : i32
    %mul3A_6 = arith.muli %add3A, %mul3A_5 : i32
    %add3A_7 = arith.constant 0 : i32
    %add3A_8 = arith.addi %mul3A_4, %add3A_7 : i32
    %dma_start3A = arith.constant 0 : i32
    %dma_start3A_9 = arith.constant 0 : i32
    %dma_start3A_10 = arith.constant 0 : i32
    %dma_start3A_11 = tpu.memref_slice %arg5[%dma_start3A, %dma_start3A_10] : memref<2x1600xi32, #tpu.memory_space<vmem>> -> memref<1x1600xi32, #tpu.memory_space<vmem>>
    %dma_start3A_12 = tpu.memref_squeeze %dma_start3A_11 : memref<1x1600xi32, #tpu.memory_space<vmem>> -> memref<1600xi32, #tpu.memory_space<vmem>>
    %dma_start3A_13 = tpu.memref_slice %arg2[%add3A_8] : memref<3276800xi32, #tpu.memory_space<hbm>> -> memref<1600xi32, #tpu.memory_space<hbm>>
    %dma_start3A_14 = tpu.memref_slice %arg7[%dma_start3A_9] : memref<2x!tpu.dma_semaphore, #tpu.memory_space<semaphore_mem>> -> memref<1x!tpu.dma_semaphore, #tpu.memory_space<semaphore_mem>>
    %dma_start3A_15 = tpu.memref_squeeze %dma_start3A_14 : memref<1x!tpu.dma_semaphore, #tpu.memory_space<semaphore_mem>> -> memref<!tpu.dma_semaphore, #tpu.memory_space<semaphore_mem>>
    %dma_start3A_16 = arith.constant 0 : i32
    %dma_start3A_17 = tpu.memref_slice %arg5[%dma_start3A, %dma_start3A_16] : memref<2x1600xi32, #tpu.memory_space<vmem>> -> memref<1x1600xi32, #tpu.memory_space<vmem>>
    %dma_start3A_18 = tpu.memref_squeeze %dma_start3A_17 : memref<1x1600xi32, #tpu.memory_space<vmem>> -> memref<1600xi32, #tpu.memory_space<vmem>>
    %dma_start3A_19 = tpu.memref_slice %arg2[%add3A_8] : memref<3276800xi32, #tpu.memory_space<hbm>> -> memref<1600xi32, #tpu.memory_space<hbm>>
    tpu.enqueue_dma source(%dma_start3A_19 : memref<1600xi32, #tpu.memory_space<hbm>>) target(%dma_start3A_18 : memref<1600xi32, #tpu.memory_space<vmem>>) target_semaphore(%dma_start3A_15 : memref<!tpu.dma_semaphore, #tpu.memory_space<semaphore_mem>>)
    %add3A_20 = arith.constant 1600 : i32
    %add3A_21 = arith.addi %mul3A_4, %add3A_20 : i32
    %dma_start3A_22 = arith.constant 1 : i32
    %dma_start3A_23 = arith.constant 1 : i32
    %dma_start3A_24 = arith.constant 0 : i32
    %dma_start3A_25 = tpu.memref_slice %arg5[%dma_start3A_22, %dma_start3A_24] : memref<2x1600xi32, #tpu.memory_space<vmem>> -> memref<1x1600xi32, #tpu.memory_space<vmem>>
    %dma_start3A_26 = tpu.memref_squeeze %dma_start3A_25 : memref<1x1600xi32, #tpu.memory_space<vmem>> -> memref<1600xi32, #tpu.memory_space<vmem>>
    %dma_start3A_27 = tpu.memref_slice %arg2[%add3A_21] : memref<3276800xi32, #tpu.memory_space<hbm>> -> memref<1600xi32, #tpu.memory_space<hbm>>
    %dma_start3A_28 = tpu.memref_slice %arg7[%dma_start3A_23] : memref<2x!tpu.dma_semaphore, #tpu.memory_space<semaphore_mem>> -> memref<1x!tpu.dma_semaphore, #tpu.memory_space<semaphore_mem>>
    %dma_start3A_29 = tpu.memref_squeeze %dma_start3A_28 : memref<1x!tpu.dma_semaphore, #tpu.memory_space<semaphore_mem>> -> memref<!tpu.dma_semaphore, #tpu.memory_space<semaphore_mem>>
    %dma_start3A_30 = arith.constant 0 : i32
    %dma_start3A_31 = tpu.memref_slice %arg5[%dma_start3A_22, %dma_start3A_30] : memref<2x1600xi32, #tpu.memory_space<vmem>> -> memref<1x1600xi32, #tpu.memory_space<vmem>>
    %dma_start3A_32 = tpu.memref_squeeze %dma_start3A_31 : memref<1x1600xi32, #tpu.memory_space<vmem>> -> memref<1600xi32, #tpu.memory_space<vmem>>
    %dma_start3A_33 = tpu.memref_slice %arg2[%add3A_21] : memref<3276800xi32, #tpu.memory_space<hbm>> -> memref<1600xi32, #tpu.memory_space<hbm>>
    tpu.enqueue_dma source(%dma_start3A_33 : memref<1600xi32, #tpu.memory_space<hbm>>) target(%dma_start3A_32 : memref<1600xi32, #tpu.memory_space<vmem>>) target_semaphore(%dma_start3A_29 : memref<!tpu.dma_semaphore, #tpu.memory_space<semaphore_mem>>)
    %scan3A = arith.constant 0 : i32
    %scan3A_34 = arith.constant 0 : i32
    %scan3A_35 = arith.constant 32 : i32
    %scan3A_36 = arith.addi %scan3A_34, %scan3A_35 : i32
    %scan3A_37 = arith.constant 1 : i32
    scf.for %scan3A_82 = %scan3A_34 to %scan3A_36 step %scan3A_37  : i32 {
      %mul3A_83 = arith.constant 2 : i32
      %mul3A_84 = arith.muli %mul3A_83, %scan3A_82 : i32
      %add3A_85 = arith.constant 0 : i32
      %add3A_86 = arith.addi %mul3A_84, %add3A_85 : i32
      %mul3A_87 = arith.constant 1600 : i32
      %mul3A_88 = arith.muli %add3A_86, %mul3A_87 : i32
      %add3A_89 = arith.addi %mul3A_4, %mul3A_88 : i32
      %dma_wait3A_90 = arith.constant 0 : i32
      %dma_wait3A_91 = arith.constant 0 : i32
      %dma_wait3A_92 = arith.constant 0 : i32
      %dma_wait3A_93 = tpu.memref_slice %arg5[%dma_wait3A_90, %dma_wait3A_92] : memref<2x1600xi32, #tpu.memory_space<vmem>> -> memref<1x1600xi32, #tpu.memory_space<vmem>>
      %dma_wait3A_94 = tpu.memref_squeeze %dma_wait3A_93 : memref<1x1600xi32, #tpu.memory_space<vmem>> -> memref<1600xi32, #tpu.memory_space<vmem>>
      %dma_wait3A_95 = tpu.memref_slice %arg2[%add3A_89] : memref<3276800xi32, #tpu.memory_space<hbm>> -> memref<1600xi32, #tpu.memory_space<hbm>>
      %dma_wait3A_96 = tpu.memref_slice %arg7[%dma_wait3A_91] : memref<2x!tpu.dma_semaphore, #tpu.memory_space<semaphore_mem>> -> memref<1x!tpu.dma_semaphore, #tpu.memory_space<semaphore_mem>>
      %dma_wait3A_97 = tpu.memref_squeeze %dma_wait3A_96 : memref<1x!tpu.dma_semaphore, #tpu.memory_space<semaphore_mem>> -> memref<!tpu.dma_semaphore, #tpu.memory_space<semaphore_mem>>
      %dma_wait3A_98 = arith.constant 0 : i32
      %dma_wait3A_99 = tpu.memref_slice %arg5[%dma_wait3A_90, %dma_wait3A_98] : memref<2x1600xi32, #tpu.memory_space<vmem>> -> memref<1x1600xi32, #tpu.memory_space<vmem>>
      %dma_wait3A_100 = tpu.memref_squeeze %dma_wait3A_99 : memref<1x1600xi32, #tpu.memory_space<vmem>> -> memref<1600xi32, #tpu.memory_space<vmem>>
      %dma_wait3A_101 = tpu.memref_slice %arg2[%add3A_89] : memref<3276800xi32, #tpu.memory_space<hbm>> -> memref<1600xi32, #tpu.memory_space<hbm>>
      tpu.wait_dma2 semaphore(%dma_wait3A_97 : memref<!tpu.dma_semaphore, #tpu.memory_space<semaphore_mem>>) src(%dma_wait3A_101 : memref<1600xi32, #tpu.memory_space<hbm>>) dst(%dma_wait3A_100 : memref<1600xi32, #tpu.memory_space<vmem>>)
      %ge3A = arith.constant 2 : i32
      %ge3A_102 = arith.cmpi sge, %add3A_86, %ge3A : i32
      %convert_element_type3A = arith.extui %ge3A_102 : i1 to i32
      %cond3A = arith.constant 0 : i32
      %cond3A_103 = arith.cmpi ne, %convert_element_type3A, %cond3A : i32
      scf.if %cond3A_103 {
        %sub3A = arith.constant 2 : i32
        %sub3A_731 = arith.subi %add3A_86, %sub3A : i32
        %mul3A_732 = arith.constant 8 : i32
        %mul3A_733 = arith.muli %sub3A_731, %mul3A_732 : i32
        %add3A_734 = arith.addi %mul3A_6, %mul3A_733 : i32
        %dma_wait3A_735 = arith.constant 0 : i32
        %dma_wait3A_736 = arith.constant 0 : i32
        %dma_wait3A_737 = arith.constant 0 : i32
        %dma_wait3A_738 = arith.constant 0 : i32
        %dma_wait3A_739 = arith.constant 0 : i32
        %dma_wait3A_740 = tpu.memref_slice %arg6[%dma_wait3A_735, %dma_wait3A_737, %dma_wait3A_738, %dma_wait3A_739] : memref<2x8x200x32xf32, #tpu.memory_space<vmem>> -> memref<1x8x200x32xf32, #tpu.memory_space<vmem>>
        %dma_wait3A_741 = tpu.memref_squeeze %dma_wait3A_740 : memref<1x8x200x32xf32, #tpu.memory_space<vmem>> -> memref<8x200x32xf32, #tpu.memory_space<vmem>>
        %dma_wait3A_742 = arith.constant 0 : i32
        %dma_wait3A_743 = arith.constant 0 : i32
        %dma_wait3A_744 = tpu.memref_slice %arg4[%add3A_734, %dma_wait3A_742, %dma_wait3A_743] : memref<16384x200x32xf32, #tpu.memory_space<hbm>> -> memref<8x200x32xf32, #tpu.memory_space<hbm>>
        %dma_wait3A_745 = tpu.memref_slice %arg9[%dma_wait3A_736] : memref<2x!tpu.dma_semaphore, #tpu.memory_space<semaphore_mem>> -> memref<1x!tpu.dma_semaphore, #tpu.memory_space<semaphore_mem>>
        %dma_wait3A_746 = tpu.memref_squeeze %dma_wait3A_745 : memref<1x!tpu.dma_semaphore, #tpu.memory_space<semaphore_mem>> -> memref<!tpu.dma_semaphore, #tpu.memory_space<semaphore_mem>>
        %dma_wait3A_747 = arith.constant 0 : i32
        %dma_wait3A_748 = arith.constant 0 : i32
        %dma_wait3A_749 = tpu.memref_slice %arg4[%add3A_734, %dma_wait3A_747, %dma_wait3A_748] : memref<16384x200x32xf32, #tpu.memory_space<hbm>> -> memref<8x200x32xf32, #tpu.memory_space<hbm>>
        %dma_wait3A_750 = arith.constant 0 : i32
        %dma_wait3A_751 = arith.constant 0 : i32
        %dma_wait3A_752 = arith.constant 0 : i32
        %dma_wait3A_753 = tpu.memref_slice %arg6[%dma_wait3A_735, %dma_wait3A_750, %dma_wait3A_751, %dma_wait3A_752] : memref<2x8x200x32xf32, #tpu.memory_space<vmem>> -> memref<1x8x200x32xf32, #tpu.memory_space<vmem>>
        %dma_wait3A_754 = tpu.memref_squeeze %dma_wait3A_753 : memref<1x8x200x32xf32, #tpu.memory_space<vmem>> -> memref<8x200x32xf32, #tpu.memory_space<vmem>>
        tpu.wait_dma2 semaphore(%dma_wait3A_746 : memref<!tpu.dma_semaphore, #tpu.memory_space<semaphore_mem>>) src(%dma_wait3A_754 : memref<8x200x32xf32, #tpu.memory_space<vmem>>) dst(%dma_wait3A_749 : memref<8x200x32xf32, #tpu.memory_space<hbm>>)
      } else {
      }
      %dma_start3A_104 = arith.constant 0 : i32
      %dma_start3A_105 = arith.constant 0 : i32
      %dma_start3A_106 = arith.constant 0 : i32
      %dma_start3A_107 = arith.constant 0 : i32
      %dma_start3A_108 = arith.constant 0 : i32
      %dma_start3A_109 = arith.constant 0 : i32
      %dma_start3A_110 = arith.constant 0 : i32
      %dma_start3A_111 = tpu.memref_slice %arg6[%dma_start3A_105, %dma_start3A_106, %dma_start3A_109, %dma_start3A_110] : memref<2x8x200x32xf32, #tpu.memory_space<vmem>> -> memref<1x1x200x32xf32, #tpu.memory_space<vmem>>
      %dma_start3A_112 = tpu.memref_squeeze %dma_start3A_111 : memref<1x1x200x32xf32, #tpu.memory_space<vmem>> -> memref<200x32xf32, #tpu.memory_space<vmem>>
      %dma_start3A_113 = arith.constant 0 : i32
      %dma_start3A_114 = tpu.memref_slice %arg5[%dma_start3A_104, %dma_start3A_113] : memref<2x1600xi32, #tpu.memory_space<vmem>> -> memref<1x200xi32, #tpu.memory_space<vmem>>
      %dma_start3A_115 = tpu.memref_squeeze %dma_start3A_114 : memref<1x200xi32, #tpu.memory_space<vmem>> -> memref<200xi32, #tpu.memory_space<vmem>>
      %dma_start3A_116 = arith.constant 0 : i32
      %dma_start3A_117 = arith.constant 0 : i32
      %dma_start3A_118 = tpu.memref_slice %arg3[%dma_start3A_116, %dma_start3A_117] : memref<1000000x32xf32, #tpu.memory_space<hbm>> -> memref<1000000x32xf32, #tpu.memory_space<hbm>>
      %dma_start3A_119 = tpu.memref_slice %arg8[%dma_start3A_107, %dma_start3A_108] : memref<2x8x!tpu.dma_semaphore, #tpu.memory_space<semaphore_mem>> -> memref<1x1x!tpu.dma_semaphore, #tpu.memory_space<semaphore_mem>>
      %dma_start3A_120 = tpu.memref_squeeze %dma_start3A_119 : memref<1x1x!tpu.dma_semaphore, #tpu.memory_space<semaphore_mem>> -> memref<!tpu.dma_semaphore, #tpu.memory_space<semaphore_mem>>
      tpu.enqueue_indirect_dma source(%dma_start3A_118 : memref<1000000x32xf32, #tpu.memory_space<hbm>>) target(%dma_start3A_112 : memref<200x32xf32, #tpu.memory_space<vmem>>) offsets(%dma_start3A_115 : memref<200xi32, #tpu.memory_space<vmem>>) semaphore(%dma_start3A_120 : memref<!tpu.dma_semaphore, #tpu.memory_space<semaphore_mem>>)
      %dma_start3A_121 = arith.constant 0 : i32
      %dma_start3A_122 = arith.constant 0 : i32
      %dma_start3A_123 = arith.constant 1 : i32
      %dma_start3A_124 = arith.constant 0 : i32
      %dma_start3A_125 = arith.constant 1 : i32
      %dma_start3A_126 = arith.constant 0 : i32
      %dma_start3A_127 = arith.constant 0 : i32
      %dma_start3A_128 = tpu.memref_slice %arg6[%dma_start3A_122, %dma_start3A_123, %dma_start3A_126, %dma_start3A_127] : memref<2x8x200x32xf32, #tpu.memory_space<vmem>> -> memref<1x1x200x32xf32, #tpu.memory_space<vmem>>
      %dma_start3A_129 = tpu.memref_squeeze %dma_start3A_128 : memref<1x1x200x32xf32, #tpu.memory_space<vmem>> -> memref<200x32xf32, #tpu.memory_space<vmem>>
      %dma_start3A_130 = arith.constant 200 : i32
      %dma_start3A_131 = tpu.memref_slice %arg5[%dma_start3A_121, %dma_start3A_130] : memref<2x1600xi32, #tpu.memory_space<vmem>> -> memref<1x200xi32, #tpu.memory_space<vmem>>
      %dma_start3A_132 = tpu.memref_squeeze %dma_start3A_131 : memref<1x200xi32, #tpu.memory_space<vmem>> -> memref<200xi32, #tpu.memory_space<vmem>>
      %dma_start3A_133 = arith.constant 0 : i32
      %dma_start3A_134 = arith.constant 0 : i32
      %dma_start3A_135 = tpu.memref_slice %arg3[%dma_start3A_133, %dma_start3A_134] : memref<1000000x32xf32, #tpu.memory_space<hbm>> -> memref<1000000x32xf32, #tpu.memory_space<hbm>>
      %dma_start3A_136 = tpu.memref_slice %arg8[%dma_start3A_124, %dma_start3A_125] : memref<2x8x!tpu.dma_semaphore, #tpu.memory_space<semaphore_mem>> -> memref<1x1x!tpu.dma_semaphore, #tpu.memory_space<semaphore_mem>>
      %dma_start3A_137 = tpu.memref_squeeze %dma_start3A_136 : memref<1x1x!tpu.dma_semaphore, #tpu.memory_space<semaphore_mem>> -> memref<!tpu.dma_semaphore, #tpu.memory_space<semaphore_mem>>
      tpu.enqueue_indirect_dma source(%dma_start3A_135 : memref<1000000x32xf32, #tpu.memory_space<hbm>>) target(%dma_start3A_129 : memref<200x32xf32, #tpu.memory_space<vmem>>) offsets(%dma_start3A_132 : memref<200xi32, #tpu.memory_space<vmem>>) semaphore(%dma_start3A_137 : memref<!tpu.dma_semaphore, #tpu.memory_space<semaphore_mem>>)
      %dma_start3A_138 = arith.constant 0 : i32
      %dma_start3A_139 = arith.constant 0 : i32
      %dma_start3A_140 = arith.constant 2 : i32
      %dma_start3A_141 = arith.constant 0 : i32
      %dma_start3A_142 = arith.constant 2 : i32
      %dma_start3A_143 = arith.constant 0 : i32
      %dma_start3A_144 = arith.constant 0 : i32
      %dma_start3A_145 = tpu.memref_slice %arg6[%dma_start3A_139, %dma_start3A_140, %dma_start3A_143, %dma_start3A_144] : memref<2x8x200x32xf32, #tpu.memory_space<vmem>> -> memref<1x1x200x32xf32, #tpu.memory_space<vmem>>
      %dma_start3A_146 = tpu.memref_squeeze %dma_start3A_145 : memref<1x1x200x32xf32, #tpu.memory_space<vmem>> -> memref<200x32xf32, #tpu.memory_space<vmem>>
      %dma_start3A_147 = arith.constant 400 : i32
      %dma_start3A_148 = tpu.memref_slice %arg5[%dma_start3A_138, %dma_start3A_147] : memref<2x1600xi32, #tpu.memory_space<vmem>> -> memref<1x200xi32, #tpu.memory_space<vmem>>
      %dma_start3A_149 = tpu.memref_squeeze %dma_start3A_148 : memref<1x200xi32, #tpu.memory_space<vmem>> -> memref<200xi32, #tpu.memory_space<vmem>>
      %dma_start3A_150 = arith.constant 0 : i32
      %dma_start3A_151 = arith.constant 0 : i32
      %dma_start3A_152 = tpu.memref_slice %arg3[%dma_start3A_150, %dma_start3A_151] : memref<1000000x32xf32, #tpu.memory_space<hbm>> -> memref<1000000x32xf32, #tpu.memory_space<hbm>>
      %dma_start3A_153 = tpu.memref_slice %arg8[%dma_start3A_141, %dma_start3A_142] : memref<2x8x!tpu.dma_semaphore, #tpu.memory_space<semaphore_mem>> -> memref<1x1x!tpu.dma_semaphore, #tpu.memory_space<semaphore_mem>>
      %dma_start3A_154 = tpu.memref_squeeze %dma_start3A_153 : memref<1x1x!tpu.dma_semaphore, #tpu.memory_space<semaphore_mem>> -> memref<!tpu.dma_semaphore, #tpu.memory_space<semaphore_mem>>
      tpu.enqueue_indirect_dma source(%dma_start3A_152 : memref<1000000x32xf32, #tpu.memory_space<hbm>>) target(%dma_start3A_146 : memref<200x32xf32, #tpu.memory_space<vmem>>) offsets(%dma_start3A_149 : memref<200xi32, #tpu.memory_space<vmem>>) semaphore(%dma_start3A_154 : memref<!tpu.dma_semaphore, #tpu.memory_space<semaphore_mem>>)
      %dma_start3A_155 = arith.constant 0 : i32
      %dma_start3A_156 = arith.constant 0 : i32
      %dma_start3A_157 = arith.constant 3 : i32
      %dma_start3A_158 = arith.constant 0 : i32
      %dma_start3A_159 = arith.constant 3 : i32
      %dma_start3A_160 = arith.constant 0 : i32
      %dma_start3A_161 = arith.constant 0 : i32
      %dma_start3A_162 = tpu.memref_slice %arg6[%dma_start3A_156, %dma_start3A_157, %dma_start3A_160, %dma_start3A_161] : memref<2x8x200x32xf32, #tpu.memory_space<vmem>> -> memref<1x1x200x32xf32, #tpu.memory_space<vmem>>
      %dma_start3A_163 = tpu.memref_squeeze %dma_start3A_162 : memref<1x1x200x32xf32, #tpu.memory_space<vmem>> -> memref<200x32xf32, #tpu.memory_space<vmem>>
      %dma_start3A_164 = arith.constant 600 : i32
      %dma_start3A_165 = tpu.memref_slice %arg5[%dma_start3A_155, %dma_start3A_164] : memref<2x1600xi32, #tpu.memory_space<vmem>> -> memref<1x200xi32, #tpu.memory_space<vmem>>
      %dma_start3A_166 = tpu.memref_squeeze %dma_start3A_165 : memref<1x200xi32, #tpu.memory_space<vmem>> -> memref<200xi32, #tpu.memory_space<vmem>>
      %dma_start3A_167 = arith.constant 0 : i32
      %dma_start3A_168 = arith.constant 0 : i32
      %dma_start3A_169 = tpu.memref_slice %arg3[%dma_start3A_167, %dma_start3A_168] : memref<1000000x32xf32, #tpu.memory_space<hbm>> -> memref<1000000x32xf32, #tpu.memory_space<hbm>>
      %dma_start3A_170 = tpu.memref_slice %arg8[%dma_start3A_158, %dma_start3A_159] : memref<2x8x!tpu.dma_semaphore, #tpu.memory_space<semaphore_mem>> -> memref<1x1x!tpu.dma_semaphore, #tpu.memory_space<semaphore_mem>>
      %dma_start3A_171 = tpu.memref_squeeze %dma_start3A_170 : memref<1x1x!tpu.dma_semaphore, #tpu.memory_space<semaphore_mem>> -> memref<!tpu.dma_semaphore, #tpu.memory_space<semaphore_mem>>
      tpu.enqueue_indirect_dma source(%dma_start3A_169 : memref<1000000x32xf32, #tpu.memory_space<hbm>>) target(%dma_start3A_163 : memref<200x32xf32, #tpu.memory_space<vmem>>) offsets(%dma_start3A_166 : memref<200xi32, #tpu.memory_space<vmem>>) semaphore(%dma_start3A_171 : memref<!tpu.dma_semaphore, #tpu.memory_space<semaphore_mem>>)
      %dma_start3A_172 = arith.constant 0 : i32
      %dma_start3A_173 = arith.constant 0 : i32
      %dma_start3A_174 = arith.constant 4 : i32
      %dma_start3A_175 = arith.constant 0 : i32
      %dma_start3A_176 = arith.constant 4 : i32
      %dma_start3A_177 = arith.constant 0 : i32
      %dma_start3A_178 = arith.constant 0 : i32
      %dma_start3A_179 = tpu.memref_slice %arg6[%dma_start3A_173, %dma_start3A_174, %dma_start3A_177, %dma_start3A_178] : memref<2x8x200x32xf32, #tpu.memory_space<vmem>> -> memref<1x1x200x32xf32, #tpu.memory_space<vmem>>
      %dma_start3A_180 = tpu.memref_squeeze %dma_start3A_179 : memref<1x1x200x32xf32, #tpu.memory_space<vmem>> -> memref<200x32xf32, #tpu.memory_space<vmem>>
      %dma_start3A_181 = arith.constant 800 : i32
      %dma_start3A_182 = tpu.memref_slice %arg5[%dma_start3A_172, %dma_start3A_181] : memref<2x1600xi32, #tpu.memory_space<vmem>> -> memref<1x200xi32, #tpu.memory_space<vmem>>
      %dma_start3A_183 = tpu.memref_squeeze %dma_start3A_182 : memref<1x200xi32, #tpu.memory_space<vmem>> -> memref<200xi32, #tpu.memory_space<vmem>>
      %dma_start3A_184 = arith.constant 0 : i32
      %dma_start3A_185 = arith.constant 0 : i32
      %dma_start3A_186 = tpu.memref_slice %arg3[%dma_start3A_184, %dma_start3A_185] : memref<1000000x32xf32, #tpu.memory_space<hbm>> -> memref<1000000x32xf32, #tpu.memory_space<hbm>>
      %dma_start3A_187 = tpu.memref_slice %arg8[%dma_start3A_175, %dma_start3A_176] : memref<2x8x!tpu.dma_semaphore, #tpu.memory_space<semaphore_mem>> -> memref<1x1x!tpu.dma_semaphore, #tpu.memory_space<semaphore_mem>>
      %dma_start3A_188 = tpu.memref_squeeze %dma_start3A_187 : memref<1x1x!tpu.dma_semaphore, #tpu.memory_space<semaphore_mem>> -> memref<!tpu.dma_semaphore, #tpu.memory_space<semaphore_mem>>
      tpu.enqueue_indirect_dma source(%dma_start3A_186 : memref<1000000x32xf32, #tpu.memory_space<hbm>>) target(%dma_start3A_180 : memref<200x32xf32, #tpu.memory_space<vmem>>) offsets(%dma_start3A_183 : memref<200xi32, #tpu.memory_space<vmem>>) semaphore(%dma_start3A_188 : memref<!tpu.dma_semaphore, #tpu.memory_space<semaphore_mem>>)
      %dma_start3A_189 = arith.constant 0 : i32
      %dma_start3A_190 = arith.constant 0 : i32
      %dma_start3A_191 = arith.constant 5 : i32
      %dma_start3A_192 = arith.constant 0 : i32
      %dma_start3A_193 = arith.constant 5 : i32
      %dma_start3A_194 = arith.constant 0 : i32
      %dma_start3A_195 = arith.constant 0 : i32
      %dma_start3A_196 = tpu.memref_slice %arg6[%dma_start3A_190, %dma_start3A_191, %dma_start3A_194, %dma_start3A_195] : memref<2x8x200x32xf32, #tpu.memory_space<vmem>> -> memref<1x1x200x32xf32, #tpu.memory_space<vmem>>
      %dma_start3A_197 = tpu.memref_squeeze %dma_start3A_196 : memref<1x1x200x32xf32, #tpu.memory_space<vmem>> -> memref<200x32xf32, #tpu.memory_space<vmem>>
      %dma_start3A_198 = arith.constant 1000 : i32
      %dma_start3A_199 = tpu.memref_slice %arg5[%dma_start3A_189, %dma_start3A_198] : memref<2x1600xi32, #tpu.memory_space<vmem>> -> memref<1x200xi32, #tpu.memory_space<vmem>>
      %dma_start3A_200 = tpu.memref_squeeze %dma_start3A_199 : memref<1x200xi32, #tpu.memory_space<vmem>> -> memref<200xi32, #tpu.memory_space<vmem>>
      %dma_start3A_201 = arith.constant 0 : i32
      %dma_start3A_202 = arith.constant 0 : i32
      %dma_start3A_203 = tpu.memref_slice %arg3[%dma_start3A_201, %dma_start3A_202] : memref<1000000x32xf32, #tpu.memory_space<hbm>> -> memref<1000000x32xf32, #tpu.memory_space<hbm>>
      %dma_start3A_204 = tpu.memref_slice %arg8[%dma_start3A_192, %dma_start3A_193] : memref<2x8x!tpu.dma_semaphore, #tpu.memory_space<semaphore_mem>> -> memref<1x1x!tpu.dma_semaphore, #tpu.memory_space<semaphore_mem>>
      %dma_start3A_205 = tpu.memref_squeeze %dma_start3A_204 : memref<1x1x!tpu.dma_semaphore, #tpu.memory_space<semaphore_mem>> -> memref<!tpu.dma_semaphore, #tpu.memory_space<semaphore_mem>>
      tpu.enqueue_indirect_dma source(%dma_start3A_203 : memref<1000000x32xf32, #tpu.memory_space<hbm>>) target(%dma_start3A_197 : memref<200x32xf32, #tpu.memory_space<vmem>>) offsets(%dma_start3A_200 : memref<200xi32, #tpu.memory_space<vmem>>) semaphore(%dma_start3A_205 : memref<!tpu.dma_semaphore, #tpu.memory_space<semaphore_mem>>)
      %dma_start3A_206 = arith.constant 0 : i32
      %dma_start3A_207 = arith.constant 0 : i32
      %dma_start3A_208 = arith.constant 6 : i32
      %dma_start3A_209 = arith.constant 0 : i32
      %dma_start3A_210 = arith.constant 6 : i32
      %dma_start3A_211 = arith.constant 0 : i32
      %dma_start3A_212 = arith.constant 0 : i32
      %dma_start3A_213 = tpu.memref_slice %arg6[%dma_start3A_207, %dma_start3A_208, %dma_start3A_211, %dma_start3A_212] : memref<2x8x200x32xf32, #tpu.memory_space<vmem>> -> memref<1x1x200x32xf32, #tpu.memory_space<vmem>>
      %dma_start3A_214 = tpu.memref_squeeze %dma_start3A_213 : memref<1x1x200x32xf32, #tpu.memory_space<vmem>> -> memref<200x32xf32, #tpu.memory_space<vmem>>
      %dma_start3A_215 = arith.constant 1200 : i32
      %dma_start3A_216 = tpu.memref_slice %arg5[%dma_start3A_206, %dma_start3A_215] : memref<2x1600xi32, #tpu.memory_space<vmem>> -> memref<1x200xi32, #tpu.memory_space<vmem>>
      %dma_start3A_217 = tpu.memref_squeeze %dma_start3A_216 : memref<1x200xi32, #tpu.memory_space<vmem>> -> memref<200xi32, #tpu.memory_space<vmem>>
      %dma_start3A_218 = arith.constant 0 : i32
      %dma_start3A_219 = arith.constant 0 : i32
      %dma_start3A_220 = tpu.memref_slice %arg3[%dma_start3A_218, %dma_start3A_219] : memref<1000000x32xf32, #tpu.memory_space<hbm>> -> memref<1000000x32xf32, #tpu.memory_space<hbm>>
      %dma_start3A_221 = tpu.memref_slice %arg8[%dma_start3A_209, %dma_start3A_210] : memref<2x8x!tpu.dma_semaphore, #tpu.memory_space<semaphore_mem>> -> memref<1x1x!tpu.dma_semaphore, #tpu.memory_space<semaphore_mem>>
      %dma_start3A_222 = tpu.memref_squeeze %dma_start3A_221 : memref<1x1x!tpu.dma_semaphore, #tpu.memory_space<semaphore_mem>> -> memref<!tpu.dma_semaphore, #tpu.memory_space<semaphore_mem>>
      tpu.enqueue_indirect_dma source(%dma_start3A_220 : memref<1000000x32xf32, #tpu.memory_space<hbm>>) target(%dma_start3A_214 : memref<200x32xf32, #tpu.memory_space<vmem>>) offsets(%dma_start3A_217 : memref<200xi32, #tpu.memory_space<vmem>>) semaphore(%dma_start3A_222 : memref<!tpu.dma_semaphore, #tpu.memory_space<semaphore_mem>>)
      %dma_start3A_223 = arith.constant 0 : i32
      %dma_start3A_224 = arith.constant 0 : i32
      %dma_start3A_225 = arith.constant 7 : i32
      %dma_start3A_226 = arith.constant 0 : i32
      %dma_start3A_227 = arith.constant 7 : i32
      %dma_start3A_228 = arith.constant 0 : i32
      %dma_start3A_229 = arith.constant 0 : i32
      %dma_start3A_230 = tpu.memref_slice %arg6[%dma_start3A_224, %dma_start3A_225, %dma_start3A_228, %dma_start3A_229] : memref<2x8x200x32xf32, #tpu.memory_space<vmem>> -> memref<1x1x200x32xf32, #tpu.memory_space<vmem>>
      %dma_start3A_231 = tpu.memref_squeeze %dma_start3A_230 : memref<1x1x200x32xf32, #tpu.memory_space<vmem>> -> memref<200x32xf32, #tpu.memory_space<vmem>>
      %dma_start3A_232 = arith.constant 1400 : i32
      %dma_start3A_233 = tpu.memref_slice %arg5[%dma_start3A_223, %dma_start3A_232] : memref<2x1600xi32, #tpu.memory_space<vmem>> -> memref<1x200xi32, #tpu.memory_space<vmem>>
      %dma_start3A_234 = tpu.memref_squeeze %dma_start3A_233 : memref<1x200xi32, #tpu.memory_space<vmem>> -> memref<200xi32, #tpu.memory_space<vmem>>
      %dma_start3A_235 = arith.constant 0 : i32
      %dma_start3A_236 = arith.constant 0 : i32
      %dma_start3A_237 = tpu.memref_slice %arg3[%dma_start3A_235, %dma_start3A_236] : memref<1000000x32xf32, #tpu.memory_space<hbm>> -> memref<1000000x32xf32, #tpu.memory_space<hbm>>
      %dma_start3A_238 = tpu.memref_slice %arg8[%dma_start3A_226, %dma_start3A_227] : memref<2x8x!tpu.dma_semaphore, #tpu.memory_space<semaphore_mem>> -> memref<1x1x!tpu.dma_semaphore, #tpu.memory_space<semaphore_mem>>
      %dma_start3A_239 = tpu.memref_squeeze %dma_start3A_238 : memref<1x1x!tpu.dma_semaphore, #tpu.memory_space<semaphore_mem>> -> memref<!tpu.dma_semaphore, #tpu.memory_space<semaphore_mem>>
      tpu.enqueue_indirect_dma source(%dma_start3A_237 : memref<1000000x32xf32, #tpu.memory_space<hbm>>) target(%dma_start3A_231 : memref<200x32xf32, #tpu.memory_space<vmem>>) offsets(%dma_start3A_234 : memref<200xi32, #tpu.memory_space<vmem>>) semaphore(%dma_start3A_239 : memref<!tpu.dma_semaphore, #tpu.memory_space<semaphore_mem>>)
      %dma_wait3A_240 = arith.constant 0 : i32
      %dma_wait3A_241 = arith.constant 0 : i32
      %dma_wait3A_242 = arith.constant 0 : i32
      %dma_wait3A_243 = arith.constant 0 : i32
      %dma_wait3A_244 = arith.constant 0 : i32
      %dma_wait3A_245 = arith.constant 0 : i32
      %dma_wait3A_246 = arith.constant 0 : i32
      %dma_wait3A_247 = tpu.memref_slice %arg6[%dma_wait3A_241, %dma_wait3A_242, %dma_wait3A_245, %dma_wait3A_246] : memref<2x8x200x32xf32, #tpu.memory_space<vmem>> -> memref<1x1x200x32xf32, #tpu.memory_space<vmem>>
      %dma_wait3A_248 = tpu.memref_squeeze %dma_wait3A_247 : memref<1x1x200x32xf32, #tpu.memory_space<vmem>> -> memref<200x32xf32, #tpu.memory_space<vmem>>
      %dma_wait3A_249 = arith.constant 0 : i32
      %dma_wait3A_250 = tpu.memref_slice %arg5[%dma_wait3A_240, %dma_wait3A_249] : memref<2x1600xi32, #tpu.memory_space<vmem>> -> memref<1x200xi32, #tpu.memory_space<vmem>>
      %dma_wait3A_251 = tpu.memref_squeeze %dma_wait3A_250 : memref<1x200xi32, #tpu.memory_space<vmem>> -> memref<200xi32, #tpu.memory_space<vmem>>
      %dma_wait3A_252 = arith.constant 0 : i32
      %dma_wait3A_253 = arith.constant 0 : i32
      %dma_wait3A_254 = tpu.memref_slice %arg3[%dma_wait3A_252, %dma_wait3A_253] : memref<1000000x32xf32, #tpu.memory_space<hbm>> -> memref<1000000x32xf32, #tpu.memory_space<hbm>>
      %dma_wait3A_255 = tpu.memref_slice %arg8[%dma_wait3A_243, %dma_wait3A_244] : memref<2x8x!tpu.dma_semaphore, #tpu.memory_space<semaphore_mem>> -> memref<1x1x!tpu.dma_semaphore, #tpu.memory_space<semaphore_mem>>
      %dma_wait3A_256 = tpu.memref_squeeze %dma_wait3A_255 : memref<1x1x!tpu.dma_semaphore, #tpu.memory_space<semaphore_mem>> -> memref<!tpu.dma_semaphore, #tpu.memory_space<semaphore_mem>>
      tpu.wait_indirect_dma semaphore(%dma_wait3A_256 : memref<!tpu.dma_semaphore, #tpu.memory_space<semaphore_mem>>) src(%dma_wait3A_254 : memref<1000000x32xf32, #tpu.memory_space<hbm>>) dst(%dma_wait3A_248 : memref<200x32xf32, #tpu.memory_space<vmem>>)
      %dma_wait3A_257 = arith.constant 0 : i32
      %dma_wait3A_258 = arith.constant 0 : i32
      %dma_wait3A_259 = arith.constant 1 : i32
      %dma_wait3A_260 = arith.constant 0 : i32
      %dma_wait3A_261 = arith.constant 1 : i32
      %dma_wait3A_262 = arith.constant 0 : i32
      %dma_wait3A_263 = arith.constant 0 : i32
      %dma_wait3A_264 = tpu.memref_slice %arg6[%dma_wait3A_258, %dma_wait3A_259, %dma_wait3A_262, %dma_wait3A_263] : memref<2x8x200x32xf32, #tpu.memory_space<vmem>> -> memref<1x1x200x32xf32, #tpu.memory_space<vmem>>
      %dma_wait3A_265 = tpu.memref_squeeze %dma_wait3A_264 : memref<1x1x200x32xf32, #tpu.memory_space<vmem>> -> memref<200x32xf32, #tpu.memory_space<vmem>>
      %dma_wait3A_266 = arith.constant 200 : i32
      %dma_wait3A_267 = tpu.memref_slice %arg5[%dma_wait3A_257, %dma_wait3A_266] : memref<2x1600xi32, #tpu.memory_space<vmem>> -> memref<1x200xi32, #tpu.memory_space<vmem>>
      %dma_wait3A_268 = tpu.memref_squeeze %dma_wait3A_267 : memref<1x200xi32, #tpu.memory_space<vmem>> -> memref<200xi32, #tpu.memory_space<vmem>>
      %dma_wait3A_269 = arith.constant 0 : i32
      %dma_wait3A_270 = arith.constant 0 : i32
      %dma_wait3A_271 = tpu.memref_slice %arg3[%dma_wait3A_269, %dma_wait3A_270] : memref<1000000x32xf32, #tpu.memory_space<hbm>> -> memref<1000000x32xf32, #tpu.memory_space<hbm>>
      %dma_wait3A_272 = tpu.memref_slice %arg8[%dma_wait3A_260, %dma_wait3A_261] : memref<2x8x!tpu.dma_semaphore, #tpu.memory_space<semaphore_mem>> -> memref<1x1x!tpu.dma_semaphore, #tpu.memory_space<semaphore_mem>>
      %dma_wait3A_273 = tpu.memref_squeeze %dma_wait3A_272 : memref<1x1x!tpu.dma_semaphore, #tpu.memory_space<semaphore_mem>> -> memref<!tpu.dma_semaphore, #tpu.memory_space<semaphore_mem>>
      tpu.wait_indirect_dma semaphore(%dma_wait3A_273 : memref<!tpu.dma_semaphore, #tpu.memory_space<semaphore_mem>>) src(%dma_wait3A_271 : memref<1000000x32xf32, #tpu.memory_space<hbm>>) dst(%dma_wait3A_265 : memref<200x32xf32, #tpu.memory_space<vmem>>)
      %dma_wait3A_274 = arith.constant 0 : i32
      %dma_wait3A_275 = arith.constant 0 : i32
      %dma_wait3A_276 = arith.constant 2 : i32
      %dma_wait3A_277 = arith.constant 0 : i32
      %dma_wait3A_278 = arith.constant 2 : i32
      %dma_wait3A_279 = arith.constant 0 : i32
      %dma_wait3A_280 = arith.constant 0 : i32
      %dma_wait3A_281 = tpu.memref_slice %arg6[%dma_wait3A_275, %dma_wait3A_276, %dma_wait3A_279, %dma_wait3A_280] : memref<2x8x200x32xf32, #tpu.memory_space<vmem>> -> memref<1x1x200x32xf32, #tpu.memory_space<vmem>>
      %dma_wait3A_282 = tpu.memref_squeeze %dma_wait3A_281 : memref<1x1x200x32xf32, #tpu.memory_space<vmem>> -> memref<200x32xf32, #tpu.memory_space<vmem>>
      %dma_wait3A_283 = arith.constant 400 : i32
      %dma_wait3A_284 = tpu.memref_slice %arg5[%dma_wait3A_274, %dma_wait3A_283] : memref<2x1600xi32, #tpu.memory_space<vmem>> -> memref<1x200xi32, #tpu.memory_space<vmem>>
      %dma_wait3A_285 = tpu.memref_squeeze %dma_wait3A_284 : memref<1x200xi32, #tpu.memory_space<vmem>> -> memref<200xi32, #tpu.memory_space<vmem>>
      %dma_wait3A_286 = arith.constant 0 : i32
      %dma_wait3A_287 = arith.constant 0 : i32
      %dma_wait3A_288 = tpu.memref_slice %arg3[%dma_wait3A_286, %dma_wait3A_287] : memref<1000000x32xf32, #tpu.memory_space<hbm>> -> memref<1000000x32xf32, #tpu.memory_space<hbm>>
      %dma_wait3A_289 = tpu.memref_slice %arg8[%dma_wait3A_277, %dma_wait3A_278] : memref<2x8x!tpu.dma_semaphore, #tpu.memory_space<semaphore_mem>> -> memref<1x1x!tpu.dma_semaphore, #tpu.memory_space<semaphore_mem>>
      %dma_wait3A_290 = tpu.memref_squeeze %dma_wait3A_289 : memref<1x1x!tpu.dma_semaphore, #tpu.memory_space<semaphore_mem>> -> memref<!tpu.dma_semaphore, #tpu.memory_space<semaphore_mem>>
      tpu.wait_indirect_dma semaphore(%dma_wait3A_290 : memref<!tpu.dma_semaphore, #tpu.memory_space<semaphore_mem>>) src(%dma_wait3A_288 : memref<1000000x32xf32, #tpu.memory_space<hbm>>) dst(%dma_wait3A_282 : memref<200x32xf32, #tpu.memory_space<vmem>>)
      %dma_wait3A_291 = arith.constant 0 : i32
      %dma_wait3A_292 = arith.constant 0 : i32
      %dma_wait3A_293 = arith.constant 3 : i32
      %dma_wait3A_294 = arith.constant 0 : i32
      %dma_wait3A_295 = arith.constant 3 : i32
      %dma_wait3A_296 = arith.constant 0 : i32
      %dma_wait3A_297 = arith.constant 0 : i32
      %dma_wait3A_298 = tpu.memref_slice %arg6[%dma_wait3A_292, %dma_wait3A_293, %dma_wait3A_296, %dma_wait3A_297] : memref<2x8x200x32xf32, #tpu.memory_space<vmem>> -> memref<1x1x200x32xf32, #tpu.memory_space<vmem>>
      %dma_wait3A_299 = tpu.memref_squeeze %dma_wait3A_298 : memref<1x1x200x32xf32, #tpu.memory_space<vmem>> -> memref<200x32xf32, #tpu.memory_space<vmem>>
      %dma_wait3A_300 = arith.constant 600 : i32
      %dma_wait3A_301 = tpu.memref_slice %arg5[%dma_wait3A_291, %dma_wait3A_300] : memref<2x1600xi32, #tpu.memory_space<vmem>> -> memref<1x200xi32, #tpu.memory_space<vmem>>
      %dma_wait3A_302 = tpu.memref_squeeze %dma_wait3A_301 : memref<1x200xi32, #tpu.memory_space<vmem>> -> memref<200xi32, #tpu.memory_space<vmem>>
      %dma_wait3A_303 = arith.constant 0 : i32
      %dma_wait3A_304 = arith.constant 0 : i32
      %dma_wait3A_305 = tpu.memref_slice %arg3[%dma_wait3A_303, %dma_wait3A_304] : memref<1000000x32xf32, #tpu.memory_space<hbm>> -> memref<1000000x32xf32, #tpu.memory_space<hbm>>
      %dma_wait3A_306 = tpu.memref_slice %arg8[%dma_wait3A_294, %dma_wait3A_295] : memref<2x8x!tpu.dma_semaphore, #tpu.memory_space<semaphore_mem>> -> memref<1x1x!tpu.dma_semaphore, #tpu.memory_space<semaphore_mem>>
      %dma_wait3A_307 = tpu.memref_squeeze %dma_wait3A_306 : memref<1x1x!tpu.dma_semaphore, #tpu.memory_space<semaphore_mem>> -> memref<!tpu.dma_semaphore, #tpu.memory_space<semaphore_mem>>
      tpu.wait_indirect_dma semaphore(%dma_wait3A_307 : memref<!tpu.dma_semaphore, #tpu.memory_space<semaphore_mem>>) src(%dma_wait3A_305 : memref<1000000x32xf32, #tpu.memory_space<hbm>>) dst(%dma_wait3A_299 : memref<200x32xf32, #tpu.memory_space<vmem>>)
      %dma_wait3A_308 = arith.constant 0 : i32
      %dma_wait3A_309 = arith.constant 0 : i32
      %dma_wait3A_310 = arith.constant 4 : i32
      %dma_wait3A_311 = arith.constant 0 : i32
      %dma_wait3A_312 = arith.constant 4 : i32
      %dma_wait3A_313 = arith.constant 0 : i32
      %dma_wait3A_314 = arith.constant 0 : i32
      %dma_wait3A_315 = tpu.memref_slice %arg6[%dma_wait3A_309, %dma_wait3A_310, %dma_wait3A_313, %dma_wait3A_314] : memref<2x8x200x32xf32, #tpu.memory_space<vmem>> -> memref<1x1x200x32xf32, #tpu.memory_space<vmem>>
      %dma_wait3A_316 = tpu.memref_squeeze %dma_wait3A_315 : memref<1x1x200x32xf32, #tpu.memory_space<vmem>> -> memref<200x32xf32, #tpu.memory_space<vmem>>
      %dma_wait3A_317 = arith.constant 800 : i32
      %dma_wait3A_318 = tpu.memref_slice %arg5[%dma_wait3A_308, %dma_wait3A_317] : memref<2x1600xi32, #tpu.memory_space<vmem>> -> memref<1x200xi32, #tpu.memory_space<vmem>>
      %dma_wait3A_319 = tpu.memref_squeeze %dma_wait3A_318 : memref<1x200xi32, #tpu.memory_space<vmem>> -> memref<200xi32, #tpu.memory_space<vmem>>
      %dma_wait3A_320 = arith.constant 0 : i32
      %dma_wait3A_321 = arith.constant 0 : i32
      %dma_wait3A_322 = tpu.memref_slice %arg3[%dma_wait3A_320, %dma_wait3A_321] : memref<1000000x32xf32, #tpu.memory_space<hbm>> -> memref<1000000x32xf32, #tpu.memory_space<hbm>>
      %dma_wait3A_323 = tpu.memref_slice %arg8[%dma_wait3A_311, %dma_wait3A_312] : memref<2x8x!tpu.dma_semaphore, #tpu.memory_space<semaphore_mem>> -> memref<1x1x!tpu.dma_semaphore, #tpu.memory_space<semaphore_mem>>
      %dma_wait3A_324 = tpu.memref_squeeze %dma_wait3A_323 : memref<1x1x!tpu.dma_semaphore, #tpu.memory_space<semaphore_mem>> -> memref<!tpu.dma_semaphore, #tpu.memory_space<semaphore_mem>>
      tpu.wait_indirect_dma semaphore(%dma_wait3A_324 : memref<!tpu.dma_semaphore, #tpu.memory_space<semaphore_mem>>) src(%dma_wait3A_322 : memref<1000000x32xf32, #tpu.memory_space<hbm>>) dst(%dma_wait3A_316 : memref<200x32xf32, #tpu.memory_space<vmem>>)
      %dma_wait3A_325 = arith.constant 0 : i32
      %dma_wait3A_326 = arith.constant 0 : i32
      %dma_wait3A_327 = arith.constant 5 : i32
      %dma_wait3A_328 = arith.constant 0 : i32
      %dma_wait3A_329 = arith.constant 5 : i32
      %dma_wait3A_330 = arith.constant 0 : i32
      %dma_wait3A_331 = arith.constant 0 : i32
      %dma_wait3A_332 = tpu.memref_slice %arg6[%dma_wait3A_326, %dma_wait3A_327, %dma_wait3A_330, %dma_wait3A_331] : memref<2x8x200x32xf32, #tpu.memory_space<vmem>> -> memref<1x1x200x32xf32, #tpu.memory_space<vmem>>
      %dma_wait3A_333 = tpu.memref_squeeze %dma_wait3A_332 : memref<1x1x200x32xf32, #tpu.memory_space<vmem>> -> memref<200x32xf32, #tpu.memory_space<vmem>>
      %dma_wait3A_334 = arith.constant 1000 : i32
      %dma_wait3A_335 = tpu.memref_slice %arg5[%dma_wait3A_325, %dma_wait3A_334] : memref<2x1600xi32, #tpu.memory_space<vmem>> -> memref<1x200xi32, #tpu.memory_space<vmem>>
      %dma_wait3A_336 = tpu.memref_squeeze %dma_wait3A_335 : memref<1x200xi32, #tpu.memory_space<vmem>> -> memref<200xi32, #tpu.memory_space<vmem>>
      %dma_wait3A_337 = arith.constant 0 : i32
      %dma_wait3A_338 = arith.constant 0 : i32
      %dma_wait3A_339 = tpu.memref_slice %arg3[%dma_wait3A_337, %dma_wait3A_338] : memref<1000000x32xf32, #tpu.memory_space<hbm>> -> memref<1000000x32xf32, #tpu.memory_space<hbm>>
      %dma_wait3A_340 = tpu.memref_slice %arg8[%dma_wait3A_328, %dma_wait3A_329] : memref<2x8x!tpu.dma_semaphore, #tpu.memory_space<semaphore_mem>> -> memref<1x1x!tpu.dma_semaphore, #tpu.memory_space<semaphore_mem>>
      %dma_wait3A_341 = tpu.memref_squeeze %dma_wait3A_340 : memref<1x1x!tpu.dma_semaphore, #tpu.memory_space<semaphore_mem>> -> memref<!tpu.dma_semaphore, #tpu.memory_space<semaphore_mem>>
      tpu.wait_indirect_dma semaphore(%dma_wait3A_341 : memref<!tpu.dma_semaphore, #tpu.memory_space<semaphore_mem>>) src(%dma_wait3A_339 : memref<1000000x32xf32, #tpu.memory_space<hbm>>) dst(%dma_wait3A_333 : memref<200x32xf32, #tpu.memory_space<vmem>>)
      %dma_wait3A_342 = arith.constant 0 : i32
      %dma_wait3A_343 = arith.constant 0 : i32
      %dma_wait3A_344 = arith.constant 6 : i32
      %dma_wait3A_345 = arith.constant 0 : i32
      %dma_wait3A_346 = arith.constant 6 : i32
      %dma_wait3A_347 = arith.constant 0 : i32
      %dma_wait3A_348 = arith.constant 0 : i32
      %dma_wait3A_349 = tpu.memref_slice %arg6[%dma_wait3A_343, %dma_wait3A_344, %dma_wait3A_347, %dma_wait3A_348] : memref<2x8x200x32xf32, #tpu.memory_space<vmem>> -> memref<1x1x200x32xf32, #tpu.memory_space<vmem>>
      %dma_wait3A_350 = tpu.memref_squeeze %dma_wait3A_349 : memref<1x1x200x32xf32, #tpu.memory_space<vmem>> -> memref<200x32xf32, #tpu.memory_space<vmem>>
      %dma_wait3A_351 = arith.constant 1200 : i32
      %dma_wait3A_352 = tpu.memref_slice %arg5[%dma_wait3A_342, %dma_wait3A_351] : memref<2x1600xi32, #tpu.memory_space<vmem>> -> memref<1x200xi32, #tpu.memory_space<vmem>>
      %dma_wait3A_353 = tpu.memref_squeeze %dma_wait3A_352 : memref<1x200xi32, #tpu.memory_space<vmem>> -> memref<200xi32, #tpu.memory_space<vmem>>
      %dma_wait3A_354 = arith.constant 0 : i32
      %dma_wait3A_355 = arith.constant 0 : i32
      %dma_wait3A_356 = tpu.memref_slice %arg3[%dma_wait3A_354, %dma_wait3A_355] : memref<1000000x32xf32, #tpu.memory_space<hbm>> -> memref<1000000x32xf32, #tpu.memory_space<hbm>>
      %dma_wait3A_357 = tpu.memref_slice %arg8[%dma_wait3A_345, %dma_wait3A_346] : memref<2x8x!tpu.dma_semaphore, #tpu.memory_space<semaphore_mem>> -> memref<1x1x!tpu.dma_semaphore, #tpu.memory_space<semaphore_mem>>
      %dma_wait3A_358 = tpu.memref_squeeze %dma_wait3A_357 : memref<1x1x!tpu.dma_semaphore, #tpu.memory_space<semaphore_mem>> -> memref<!tpu.dma_semaphore, #tpu.memory_space<semaphore_mem>>
      tpu.wait_indirect_dma semaphore(%dma_wait3A_358 : memref<!tpu.dma_semaphore, #tpu.memory_space<semaphore_mem>>) src(%dma_wait3A_356 : memref<1000000x32xf32, #tpu.memory_space<hbm>>) dst(%dma_wait3A_350 : memref<200x32xf32, #tpu.memory_space<vmem>>)
      %dma_wait3A_359 = arith.constant 0 : i32
      %dma_wait3A_360 = arith.constant 0 : i32
      %dma_wait3A_361 = arith.constant 7 : i32
      %dma_wait3A_362 = arith.constant 0 : i32
      %dma_wait3A_363 = arith.constant 7 : i32
      %dma_wait3A_364 = arith.constant 0 : i32
      %dma_wait3A_365 = arith.constant 0 : i32
      %dma_wait3A_366 = tpu.memref_slice %arg6[%dma_wait3A_360, %dma_wait3A_361, %dma_wait3A_364, %dma_wait3A_365] : memref<2x8x200x32xf32, #tpu.memory_space<vmem>> -> memref<1x1x200x32xf32, #tpu.memory_space<vmem>>
      %dma_wait3A_367 = tpu.memref_squeeze %dma_wait3A_366 : memref<1x1x200x32xf32, #tpu.memory_space<vmem>> -> memref<200x32xf32, #tpu.memory_space<vmem>>
      %dma_wait3A_368 = arith.constant 1400 : i32
      %dma_wait3A_369 = tpu.memref_slice %arg5[%dma_wait3A_359, %dma_wait3A_368] : memref<2x1600xi32, #tpu.memory_space<vmem>> -> memref<1x200xi32, #tpu.memory_space<vmem>>
      %dma_wait3A_370 = tpu.memref_squeeze %dma_wait3A_369 : memref<1x200xi32, #tpu.memory_space<vmem>> -> memref<200xi32, #tpu.memory_space<vmem>>
      %dma_wait3A_371 = arith.constant 0 : i32
      %dma_wait3A_372 = arith.constant 0 : i32
      %dma_wait3A_373 = tpu.memref_slice %arg3[%dma_wait3A_371, %dma_wait3A_372] : memref<1000000x32xf32, #tpu.memory_space<hbm>> -> memref<1000000x32xf32, #tpu.memory_space<hbm>>
      %dma_wait3A_374 = tpu.memref_slice %arg8[%dma_wait3A_362, %dma_wait3A_363] : memref<2x8x!tpu.dma_semaphore, #tpu.memory_space<semaphore_mem>> -> memref<1x1x!tpu.dma_semaphore, #tpu.memory_space<semaphore_mem>>
      %dma_wait3A_375 = tpu.memref_squeeze %dma_wait3A_374 : memref<1x1x!tpu.dma_semaphore, #tpu.memory_space<semaphore_mem>> -> memref<!tpu.dma_semaphore, #tpu.memory_space<semaphore_mem>>
      tpu.wait_indirect_dma semaphore(%dma_wait3A_375 : memref<!tpu.dma_semaphore, #tpu.memory_space<semaphore_mem>>) src(%dma_wait3A_373 : memref<1000000x32xf32, #tpu.memory_space<hbm>>) dst(%dma_wait3A_367 : memref<200x32xf32, #tpu.memory_space<vmem>>)
      %add3A_376 = arith.constant 2 : i32
      %add3A_377 = arith.addi %add3A_86, %add3A_376 : i32
      %lt3A = arith.constant 64 : i32
      %lt3A_378 = arith.cmpi slt, %add3A_377, %lt3A : i32
      %convert_element_type3A_379 = arith.extui %lt3A_378 : i1 to i32
      %cond3A_380 = arith.constant 0 : i32
      %cond3A_381 = arith.cmpi ne, %convert_element_type3A_379, %cond3A_380 : i32
      scf.if %cond3A_381 {
        %add3A_731 = arith.constant 2 : i32
        %add3A_732 = arith.addi %add3A_86, %add3A_731 : i32
        %mul3A_733 = arith.constant 1600 : i32
        %mul3A_734 = arith.muli %add3A_732, %mul3A_733 : i32
        %add3A_735 = arith.addi %mul3A_4, %mul3A_734 : i32
        %dma_start3A_736 = arith.constant 0 : i32
        %dma_start3A_737 = arith.constant 0 : i32
        %dma_start3A_738 = arith.constant 0 : i32
        %dma_start3A_739 = tpu.memref_slice %arg5[%dma_start3A_736, %dma_start3A_738] : memref<2x1600xi32, #tpu.memory_space<vmem>> -> memref<1x1600xi32, #tpu.memory_space<vmem>>
        %dma_start3A_740 = tpu.memref_squeeze %dma_start3A_739 : memref<1x1600xi32, #tpu.memory_space<vmem>> -> memref<1600xi32, #tpu.memory_space<vmem>>
        %dma_start3A_741 = tpu.memref_slice %arg2[%add3A_735] : memref<3276800xi32, #tpu.memory_space<hbm>> -> memref<1600xi32, #tpu.memory_space<hbm>>
        %dma_start3A_742 = tpu.memref_slice %arg7[%dma_start3A_737] : memref<2x!tpu.dma_semaphore, #tpu.memory_space<semaphore_mem>> -> memref<1x!tpu.dma_semaphore, #tpu.memory_space<semaphore_mem>>
        %dma_start3A_743 = tpu.memref_squeeze %dma_start3A_742 : memref<1x!tpu.dma_semaphore, #tpu.memory_space<semaphore_mem>> -> memref<!tpu.dma_semaphore, #tpu.memory_space<semaphore_mem>>
        %dma_start3A_744 = arith.constant 0 : i32
        %dma_start3A_745 = tpu.memref_slice %arg5[%dma_start3A_736, %dma_start3A_744] : memref<2x1600xi32, #tpu.memory_space<vmem>> -> memref<1x1600xi32, #tpu.memory_space<vmem>>
        %dma_start3A_746 = tpu.memref_squeeze %dma_start3A_745 : memref<1x1600xi32, #tpu.memory_space<vmem>> -> memref<1600xi32, #tpu.memory_space<vmem>>
        %dma_start3A_747 = tpu.memref_slice %arg2[%add3A_735] : memref<3276800xi32, #tpu.memory_space<hbm>> -> memref<1600xi32, #tpu.memory_space<hbm>>
        tpu.enqueue_dma source(%dma_start3A_747 : memref<1600xi32, #tpu.memory_space<hbm>>) target(%dma_start3A_746 : memref<1600xi32, #tpu.memory_space<vmem>>) target_semaphore(%dma_start3A_743 : memref<!tpu.dma_semaphore, #tpu.memory_space<semaphore_mem>>)
      } else {
      }
      %mul3A_382 = arith.constant 8 : i32
      %mul3A_383 = arith.muli %add3A_86, %mul3A_382 : i32
      %add3A_384 = arith.addi %mul3A_6, %mul3A_383 : i32
      %dma_start3A_385 = arith.constant 0 : i32
      %dma_start3A_386 = arith.constant 0 : i32
      %dma_start3A_387 = arith.constant 0 : i32
      %dma_start3A_388 = arith.constant 0 : i32
      %dma_start3A_389 = arith.constant 0 : i32
      %dma_start3A_390 = tpu.memref_slice %arg6[%dma_start3A_385, %dma_start3A_387, %dma_start3A_388, %dma_start3A_389] : memref<2x8x200x32xf32, #tpu.memory_space<vmem>> -> memref<1x8x200x32xf32, #tpu.memory_space<vmem>>
      %dma_start3A_391 = tpu.memref_squeeze %dma_start3A_390 : memref<1x8x200x32xf32, #tpu.memory_space<vmem>> -> memref<8x200x32xf32, #tpu.memory_space<vmem>>
      %dma_start3A_392 = arith.constant 0 : i32
      %dma_start3A_393 = arith.constant 0 : i32
      %dma_start3A_394 = tpu.memref_slice %arg4[%add3A_384, %dma_start3A_392, %dma_start3A_393] : memref<16384x200x32xf32, #tpu.memory_space<hbm>> -> memref<8x200x32xf32, #tpu.memory_space<hbm>>
      %dma_start3A_395 = tpu.memref_slice %arg9[%dma_start3A_386] : memref<2x!tpu.dma_semaphore, #tpu.memory_space<semaphore_mem>> -> memref<1x!tpu.dma_semaphore, #tpu.memory_space<semaphore_mem>>
      %dma_start3A_396 = tpu.memref_squeeze %dma_start3A_395 : memref<1x!tpu.dma_semaphore, #tpu.memory_space<semaphore_mem>> -> memref<!tpu.dma_semaphore, #tpu.memory_space<semaphore_mem>>
      %dma_start3A_397 = arith.constant 0 : i32
      %dma_start3A_398 = arith.constant 0 : i32
      %dma_start3A_399 = tpu.memref_slice %arg4[%add3A_384, %dma_start3A_397, %dma_start3A_398] : memref<16384x200x32xf32, #tpu.memory_space<hbm>> -> memref<8x200x32xf32, #tpu.memory_space<hbm>>
      %dma_start3A_400 = arith.constant 0 : i32
      %dma_start3A_401 = arith.constant 0 : i32
      %dma_start3A_402 = arith.constant 0 : i32
      %dma_start3A_403 = tpu.memref_slice %arg6[%dma_start3A_385, %dma_start3A_400, %dma_start3A_401, %dma_start3A_402] : memref<2x8x200x32xf32, #tpu.memory_space<vmem>> -> memref<1x8x200x32xf32, #tpu.memory_space<vmem>>
      %dma_start3A_404 = tpu.memref_squeeze %dma_start3A_403 : memref<1x8x200x32xf32, #tpu.memory_space<vmem>> -> memref<8x200x32xf32, #tpu.memory_space<vmem>>
      tpu.enqueue_dma source(%dma_start3A_404 : memref<8x200x32xf32, #tpu.memory_space<vmem>>) target(%dma_start3A_399 : memref<8x200x32xf32, #tpu.memory_space<hbm>>) target_semaphore(%dma_start3A_396 : memref<!tpu.dma_semaphore, #tpu.memory_space<semaphore_mem>>)
      %mul3A_405 = arith.constant 2 : i32
      %mul3A_406 = arith.muli %mul3A_405, %scan3A_82 : i32
      %add3A_407 = arith.constant 1 : i32
      %add3A_408 = arith.addi %mul3A_406, %add3A_407 : i32
      %mul3A_409 = arith.constant 1600 : i32
      %mul3A_410 = arith.muli %add3A_408, %mul3A_409 : i32
      %add3A_411 = arith.addi %mul3A_4, %mul3A_410 : i32
      %dma_wait3A_412 = arith.constant 1 : i32
      %dma_wait3A_413 = arith.constant 1 : i32
      %dma_wait3A_414 = arith.constant 0 : i32
      %dma_wait3A_415 = tpu.memref_slice %arg5[%dma_wait3A_412, %dma_wait3A_414] : memref<2x1600xi32, #tpu.memory_space<vmem>> -> memref<1x1600xi32, #tpu.memory_space<vmem>>
      %dma_wait3A_416 = tpu.memref_squeeze %dma_wait3A_415 : memref<1x1600xi32, #tpu.memory_space<vmem>> -> memref<1600xi32, #tpu.memory_space<vmem>>
      %dma_wait3A_417 = tpu.memref_slice %arg2[%add3A_411] : memref<3276800xi32, #tpu.memory_space<hbm>> -> memref<1600xi32, #tpu.memory_space<hbm>>
      %dma_wait3A_418 = tpu.memref_slice %arg7[%dma_wait3A_413] : memref<2x!tpu.dma_semaphore, #tpu.memory_space<semaphore_mem>> -> memref<1x!tpu.dma_semaphore, #tpu.memory_space<semaphore_mem>>
      %dma_wait3A_419 = tpu.memref_squeeze %dma_wait3A_418 : memref<1x!tpu.dma_semaphore, #tpu.memory_space<semaphore_mem>> -> memref<!tpu.dma_semaphore, #tpu.memory_space<semaphore_mem>>
      %dma_wait3A_420 = arith.constant 0 : i32
      %dma_wait3A_421 = tpu.memref_slice %arg5[%dma_wait3A_412, %dma_wait3A_420] : memref<2x1600xi32, #tpu.memory_space<vmem>> -> memref<1x1600xi32, #tpu.memory_space<vmem>>
      %dma_wait3A_422 = tpu.memref_squeeze %dma_wait3A_421 : memref<1x1600xi32, #tpu.memory_space<vmem>> -> memref<1600xi32, #tpu.memory_space<vmem>>
      %dma_wait3A_423 = tpu.memref_slice %arg2[%add3A_411] : memref<3276800xi32, #tpu.memory_space<hbm>> -> memref<1600xi32, #tpu.memory_space<hbm>>
      tpu.wait_dma2 semaphore(%dma_wait3A_419 : memref<!tpu.dma_semaphore, #tpu.memory_space<semaphore_mem>>) src(%dma_wait3A_423 : memref<1600xi32, #tpu.memory_space<hbm>>) dst(%dma_wait3A_422 : memref<1600xi32, #tpu.memory_space<vmem>>)
      %ge3A_424 = arith.constant 2 : i32
      %ge3A_425 = arith.cmpi sge, %add3A_408, %ge3A_424 : i32
      %convert_element_type3A_426 = arith.extui %ge3A_425 : i1 to i32
      %cond3A_427 = arith.constant 0 : i32
      %cond3A_428 = arith.cmpi ne, %convert_element_type3A_426, %cond3A_427 : i32
      scf.if %cond3A_428 {
        %sub3A = arith.constant 2 : i32
        %sub3A_731 = arith.subi %add3A_408, %sub3A : i32
        %mul3A_732 = arith.constant 8 : i32
        %mul3A_733 = arith.muli %sub3A_731, %mul3A_732 : i32
        %add3A_734 = arith.addi %mul3A_6, %mul3A_733 : i32
        %dma_wait3A_735 = arith.constant 1 : i32
        %dma_wait3A_736 = arith.constant 1 : i32
        %dma_wait3A_737 = arith.constant 0 : i32
        %dma_wait3A_738 = arith.constant 0 : i32
        %dma_wait3A_739 = arith.constant 0 : i32
        %dma_wait3A_740 = tpu.memref_slice %arg6[%dma_wait3A_735, %dma_wait3A_737, %dma_wait3A_738, %dma_wait3A_739] : memref<2x8x200x32xf32, #tpu.memory_space<vmem>> -> memref<1x8x200x32xf32, #tpu.memory_space<vmem>>
        %dma_wait3A_741 = tpu.memref_squeeze %dma_wait3A_740 : memref<1x8x200x32xf32, #tpu.memory_space<vmem>> -> memref<8x200x32xf32, #tpu.memory_space<vmem>>
        %dma_wait3A_742 = arith.constant 0 : i32
        %dma_wait3A_743 = arith.constant 0 : i32
        %dma_wait3A_744 = tpu.memref_slice %arg4[%add3A_734, %dma_wait3A_742, %dma_wait3A_743] : memref<16384x200x32xf32, #tpu.memory_space<hbm>> -> memref<8x200x32xf32, #tpu.memory_space<hbm>>
        %dma_wait3A_745 = tpu.memref_slice %arg9[%dma_wait3A_736] : memref<2x!tpu.dma_semaphore, #tpu.memory_space<semaphore_mem>> -> memref<1x!tpu.dma_semaphore, #tpu.memory_space<semaphore_mem>>
        %dma_wait3A_746 = tpu.memref_squeeze %dma_wait3A_745 : memref<1x!tpu.dma_semaphore, #tpu.memory_space<semaphore_mem>> -> memref<!tpu.dma_semaphore, #tpu.memory_space<semaphore_mem>>
        %dma_wait3A_747 = arith.constant 0 : i32
        %dma_wait3A_748 = arith.constant 0 : i32
        %dma_wait3A_749 = tpu.memref_slice %arg4[%add3A_734, %dma_wait3A_747, %dma_wait3A_748] : memref<16384x200x32xf32, #tpu.memory_space<hbm>> -> memref<8x200x32xf32, #tpu.memory_space<hbm>>
        %dma_wait3A_750 = arith.constant 0 : i32
        %dma_wait3A_751 = arith.constant 0 : i32
        %dma_wait3A_752 = arith.constant 0 : i32
        %dma_wait3A_753 = tpu.memref_slice %arg6[%dma_wait3A_735, %dma_wait3A_750, %dma_wait3A_751, %dma_wait3A_752] : memref<2x8x200x32xf32, #tpu.memory_space<vmem>> -> memref<1x8x200x32xf32, #tpu.memory_space<vmem>>
        %dma_wait3A_754 = tpu.memref_squeeze %dma_wait3A_753 : memref<1x8x200x32xf32, #tpu.memory_space<vmem>> -> memref<8x200x32xf32, #tpu.memory_space<vmem>>
        tpu.wait_dma2 semaphore(%dma_wait3A_746 : memref<!tpu.dma_semaphore, #tpu.memory_space<semaphore_mem>>) src(%dma_wait3A_754 : memref<8x200x32xf32, #tpu.memory_space<vmem>>) dst(%dma_wait3A_749 : memref<8x200x32xf32, #tpu.memory_space<hbm>>)
      } else {
      }
      %dma_start3A_429 = arith.constant 1 : i32
      %dma_start3A_430 = arith.constant 1 : i32
      %dma_start3A_431 = arith.constant 0 : i32
      %dma_start3A_432 = arith.constant 1 : i32
      %dma_start3A_433 = arith.constant 0 : i32
      %dma_start3A_434 = arith.constant 0 : i32
      %dma_start3A_435 = arith.constant 0 : i32
      %dma_start3A_436 = tpu.memref_slice %arg6[%dma_start3A_430, %dma_start3A_431, %dma_start3A_434, %dma_start3A_435] : memref<2x8x200x32xf32, #tpu.memory_space<vmem>> -> memref<1x1x200x32xf32, #tpu.memory_space<vmem>>
      %dma_start3A_437 = tpu.memref_squeeze %dma_start3A_436 : memref<1x1x200x32xf32, #tpu.memory_space<vmem>> -> memref<200x32xf32, #tpu.memory_space<vmem>>
      %dma_start3A_438 = arith.constant 0 : i32
      %dma_start3A_439 = tpu.memref_slice %arg5[%dma_start3A_429, %dma_start3A_438] : memref<2x1600xi32, #tpu.memory_space<vmem>> -> memref<1x200xi32, #tpu.memory_space<vmem>>
      %dma_start3A_440 = tpu.memref_squeeze %dma_start3A_439 : memref<1x200xi32, #tpu.memory_space<vmem>> -> memref<200xi32, #tpu.memory_space<vmem>>
      %dma_start3A_441 = arith.constant 0 : i32
      %dma_start3A_442 = arith.constant 0 : i32
      %dma_start3A_443 = tpu.memref_slice %arg3[%dma_start3A_441, %dma_start3A_442] : memref<1000000x32xf32, #tpu.memory_space<hbm>> -> memref<1000000x32xf32, #tpu.memory_space<hbm>>
      %dma_start3A_444 = tpu.memref_slice %arg8[%dma_start3A_432, %dma_start3A_433] : memref<2x8x!tpu.dma_semaphore, #tpu.memory_space<semaphore_mem>> -> memref<1x1x!tpu.dma_semaphore, #tpu.memory_space<semaphore_mem>>
      %dma_start3A_445 = tpu.memref_squeeze %dma_start3A_444 : memref<1x1x!tpu.dma_semaphore, #tpu.memory_space<semaphore_mem>> -> memref<!tpu.dma_semaphore, #tpu.memory_space<semaphore_mem>>
      tpu.enqueue_indirect_dma source(%dma_start3A_443 : memref<1000000x32xf32, #tpu.memory_space<hbm>>) target(%dma_start3A_437 : memref<200x32xf32, #tpu.memory_space<vmem>>) offsets(%dma_start3A_440 : memref<200xi32, #tpu.memory_space<vmem>>) semaphore(%dma_start3A_445 : memref<!tpu.dma_semaphore, #tpu.memory_space<semaphore_mem>>)
      %dma_start3A_446 = arith.constant 1 : i32
      %dma_start3A_447 = arith.constant 1 : i32
      %dma_start3A_448 = arith.constant 1 : i32
      %dma_start3A_449 = arith.constant 1 : i32
      %dma_start3A_450 = arith.constant 1 : i32
      %dma_start3A_451 = arith.constant 0 : i32
      %dma_start3A_452 = arith.constant 0 : i32
      %dma_start3A_453 = tpu.memref_slice %arg6[%dma_start3A_447, %dma_start3A_448, %dma_start3A_451, %dma_start3A_452] : memref<2x8x200x32xf32, #tpu.memory_space<vmem>> -> memref<1x1x200x32xf32, #tpu.memory_space<vmem>>
      %dma_start3A_454 = tpu.memref_squeeze %dma_start3A_453 : memref<1x1x200x32xf32, #tpu.memory_space<vmem>> -> memref<200x32xf32, #tpu.memory_space<vmem>>
      %dma_start3A_455 = arith.constant 200 : i32
      %dma_start3A_456 = tpu.memref_slice %arg5[%dma_start3A_446, %dma_start3A_455] : memref<2x1600xi32, #tpu.memory_space<vmem>> -> memref<1x200xi32, #tpu.memory_space<vmem>>
      %dma_start3A_457 = tpu.memref_squeeze %dma_start3A_456 : memref<1x200xi32, #tpu.memory_space<vmem>> -> memref<200xi32, #tpu.memory_space<vmem>>
      %dma_start3A_458 = arith.constant 0 : i32
      %dma_start3A_459 = arith.constant 0 : i32
      %dma_start3A_460 = tpu.memref_slice %arg3[%dma_start3A_458, %dma_start3A_459] : memref<1000000x32xf32, #tpu.memory_space<hbm>> -> memref<1000000x32xf32, #tpu.memory_space<hbm>>
      %dma_start3A_461 = tpu.memref_slice %arg8[%dma_start3A_449, %dma_start3A_450] : memref<2x8x!tpu.dma_semaphore, #tpu.memory_space<semaphore_mem>> -> memref<1x1x!tpu.dma_semaphore, #tpu.memory_space<semaphore_mem>>
      %dma_start3A_462 = tpu.memref_squeeze %dma_start3A_461 : memref<1x1x!tpu.dma_semaphore, #tpu.memory_space<semaphore_mem>> -> memref<!tpu.dma_semaphore, #tpu.memory_space<semaphore_mem>>
      tpu.enqueue_indirect_dma source(%dma_start3A_460 : memref<1000000x32xf32, #tpu.memory_space<hbm>>) target(%dma_start3A_454 : memref<200x32xf32, #tpu.memory_space<vmem>>) offsets(%dma_start3A_457 : memref<200xi32, #tpu.memory_space<vmem>>) semaphore(%dma_start3A_462 : memref<!tpu.dma_semaphore, #tpu.memory_space<semaphore_mem>>)
      %dma_start3A_463 = arith.constant 1 : i32
      %dma_start3A_464 = arith.constant 1 : i32
      %dma_start3A_465 = arith.constant 2 : i32
      %dma_start3A_466 = arith.constant 1 : i32
      %dma_start3A_467 = arith.constant 2 : i32
      %dma_start3A_468 = arith.constant 0 : i32
      %dma_start3A_469 = arith.constant 0 : i32
      %dma_start3A_470 = tpu.memref_slice %arg6[%dma_start3A_464, %dma_start3A_465, %dma_start3A_468, %dma_start3A_469] : memref<2x8x200x32xf32, #tpu.memory_space<vmem>> -> memref<1x1x200x32xf32, #tpu.memory_space<vmem>>
      %dma_start3A_471 = tpu.memref_squeeze %dma_start3A_470 : memref<1x1x200x32xf32, #tpu.memory_space<vmem>> -> memref<200x32xf32, #tpu.memory_space<vmem>>
      %dma_start3A_472 = arith.constant 400 : i32
      %dma_start3A_473 = tpu.memref_slice %arg5[%dma_start3A_463, %dma_start3A_472] : memref<2x1600xi32, #tpu.memory_space<vmem>> -> memref<1x200xi32, #tpu.memory_space<vmem>>
      %dma_start3A_474 = tpu.memref_squeeze %dma_start3A_473 : memref<1x200xi32, #tpu.memory_space<vmem>> -> memref<200xi32, #tpu.memory_space<vmem>>
      %dma_start3A_475 = arith.constant 0 : i32
      %dma_start3A_476 = arith.constant 0 : i32
      %dma_start3A_477 = tpu.memref_slice %arg3[%dma_start3A_475, %dma_start3A_476] : memref<1000000x32xf32, #tpu.memory_space<hbm>> -> memref<1000000x32xf32, #tpu.memory_space<hbm>>
      %dma_start3A_478 = tpu.memref_slice %arg8[%dma_start3A_466, %dma_start3A_467] : memref<2x8x!tpu.dma_semaphore, #tpu.memory_space<semaphore_mem>> -> memref<1x1x!tpu.dma_semaphore, #tpu.memory_space<semaphore_mem>>
      %dma_start3A_479 = tpu.memref_squeeze %dma_start3A_478 : memref<1x1x!tpu.dma_semaphore, #tpu.memory_space<semaphore_mem>> -> memref<!tpu.dma_semaphore, #tpu.memory_space<semaphore_mem>>
      tpu.enqueue_indirect_dma source(%dma_start3A_477 : memref<1000000x32xf32, #tpu.memory_space<hbm>>) target(%dma_start3A_471 : memref<200x32xf32, #tpu.memory_space<vmem>>) offsets(%dma_start3A_474 : memref<200xi32, #tpu.memory_space<vmem>>) semaphore(%dma_start3A_479 : memref<!tpu.dma_semaphore, #tpu.memory_space<semaphore_mem>>)
      %dma_start3A_480 = arith.constant 1 : i32
      %dma_start3A_481 = arith.constant 1 : i32
      %dma_start3A_482 = arith.constant 3 : i32
      %dma_start3A_483 = arith.constant 1 : i32
      %dma_start3A_484 = arith.constant 3 : i32
      %dma_start3A_485 = arith.constant 0 : i32
      %dma_start3A_486 = arith.constant 0 : i32
      %dma_start3A_487 = tpu.memref_slice %arg6[%dma_start3A_481, %dma_start3A_482, %dma_start3A_485, %dma_start3A_486] : memref<2x8x200x32xf32, #tpu.memory_space<vmem>> -> memref<1x1x200x32xf32, #tpu.memory_space<vmem>>
      %dma_start3A_488 = tpu.memref_squeeze %dma_start3A_487 : memref<1x1x200x32xf32, #tpu.memory_space<vmem>> -> memref<200x32xf32, #tpu.memory_space<vmem>>
      %dma_start3A_489 = arith.constant 600 : i32
      %dma_start3A_490 = tpu.memref_slice %arg5[%dma_start3A_480, %dma_start3A_489] : memref<2x1600xi32, #tpu.memory_space<vmem>> -> memref<1x200xi32, #tpu.memory_space<vmem>>
      %dma_start3A_491 = tpu.memref_squeeze %dma_start3A_490 : memref<1x200xi32, #tpu.memory_space<vmem>> -> memref<200xi32, #tpu.memory_space<vmem>>
      %dma_start3A_492 = arith.constant 0 : i32
      %dma_start3A_493 = arith.constant 0 : i32
      %dma_start3A_494 = tpu.memref_slice %arg3[%dma_start3A_492, %dma_start3A_493] : memref<1000000x32xf32, #tpu.memory_space<hbm>> -> memref<1000000x32xf32, #tpu.memory_space<hbm>>
      %dma_start3A_495 = tpu.memref_slice %arg8[%dma_start3A_483, %dma_start3A_484] : memref<2x8x!tpu.dma_semaphore, #tpu.memory_space<semaphore_mem>> -> memref<1x1x!tpu.dma_semaphore, #tpu.memory_space<semaphore_mem>>
      %dma_start3A_496 = tpu.memref_squeeze %dma_start3A_495 : memref<1x1x!tpu.dma_semaphore, #tpu.memory_space<semaphore_mem>> -> memref<!tpu.dma_semaphore, #tpu.memory_space<semaphore_mem>>
      tpu.enqueue_indirect_dma source(%dma_start3A_494 : memref<1000000x32xf32, #tpu.memory_space<hbm>>) target(%dma_start3A_488 : memref<200x32xf32, #tpu.memory_space<vmem>>) offsets(%dma_start3A_491 : memref<200xi32, #tpu.memory_space<vmem>>) semaphore(%dma_start3A_496 : memref<!tpu.dma_semaphore, #tpu.memory_space<semaphore_mem>>)
      %dma_start3A_497 = arith.constant 1 : i32
      %dma_start3A_498 = arith.constant 1 : i32
      %dma_start3A_499 = arith.constant 4 : i32
      %dma_start3A_500 = arith.constant 1 : i32
      %dma_start3A_501 = arith.constant 4 : i32
      %dma_start3A_502 = arith.constant 0 : i32
      %dma_start3A_503 = arith.constant 0 : i32
      %dma_start3A_504 = tpu.memref_slice %arg6[%dma_start3A_498, %dma_start3A_499, %dma_start3A_502, %dma_start3A_503] : memref<2x8x200x32xf32, #tpu.memory_space<vmem>> -> memref<1x1x200x32xf32, #tpu.memory_space<vmem>>
      %dma_start3A_505 = tpu.memref_squeeze %dma_start3A_504 : memref<1x1x200x32xf32, #tpu.memory_space<vmem>> -> memref<200x32xf32, #tpu.memory_space<vmem>>
      %dma_start3A_506 = arith.constant 800 : i32
      %dma_start3A_507 = tpu.memref_slice %arg5[%dma_start3A_497, %dma_start3A_506] : memref<2x1600xi32, #tpu.memory_space<vmem>> -> memref<1x200xi32, #tpu.memory_space<vmem>>
      %dma_start3A_508 = tpu.memref_squeeze %dma_start3A_507 : memref<1x200xi32, #tpu.memory_space<vmem>> -> memref<200xi32, #tpu.memory_space<vmem>>
      %dma_start3A_509 = arith.constant 0 : i32
      %dma_start3A_510 = arith.constant 0 : i32
      %dma_start3A_511 = tpu.memref_slice %arg3[%dma_start3A_509, %dma_start3A_510] : memref<1000000x32xf32, #tpu.memory_space<hbm>> -> memref<1000000x32xf32, #tpu.memory_space<hbm>>
      %dma_start3A_512 = tpu.memref_slice %arg8[%dma_start3A_500, %dma_start3A_501] : memref<2x8x!tpu.dma_semaphore, #tpu.memory_space<semaphore_mem>> -> memref<1x1x!tpu.dma_semaphore, #tpu.memory_space<semaphore_mem>>
      %dma_start3A_513 = tpu.memref_squeeze %dma_start3A_512 : memref<1x1x!tpu.dma_semaphore, #tpu.memory_space<semaphore_mem>> -> memref<!tpu.dma_semaphore, #tpu.memory_space<semaphore_mem>>
      tpu.enqueue_indirect_dma source(%dma_start3A_511 : memref<1000000x32xf32, #tpu.memory_space<hbm>>) target(%dma_start3A_505 : memref<200x32xf32, #tpu.memory_space<vmem>>) offsets(%dma_start3A_508 : memref<200xi32, #tpu.memory_space<vmem>>) semaphore(%dma_start3A_513 : memref<!tpu.dma_semaphore, #tpu.memory_space<semaphore_mem>>)
      %dma_start3A_514 = arith.constant 1 : i32
      %dma_start3A_515 = arith.constant 1 : i32
      %dma_start3A_516 = arith.constant 5 : i32
      %dma_start3A_517 = arith.constant 1 : i32
      %dma_start3A_518 = arith.constant 5 : i32
      %dma_start3A_519 = arith.constant 0 : i32
      %dma_start3A_520 = arith.constant 0 : i32
      %dma_start3A_521 = tpu.memref_slice %arg6[%dma_start3A_515, %dma_start3A_516, %dma_start3A_519, %dma_start3A_520] : memref<2x8x200x32xf32, #tpu.memory_space<vmem>> -> memref<1x1x200x32xf32, #tpu.memory_space<vmem>>
      %dma_start3A_522 = tpu.memref_squeeze %dma_start3A_521 : memref<1x1x200x32xf32, #tpu.memory_space<vmem>> -> memref<200x32xf32, #tpu.memory_space<vmem>>
      %dma_start3A_523 = arith.constant 1000 : i32
      %dma_start3A_524 = tpu.memref_slice %arg5[%dma_start3A_514, %dma_start3A_523] : memref<2x1600xi32, #tpu.memory_space<vmem>> -> memref<1x200xi32, #tpu.memory_space<vmem>>
      %dma_start3A_525 = tpu.memref_squeeze %dma_start3A_524 : memref<1x200xi32, #tpu.memory_space<vmem>> -> memref<200xi32, #tpu.memory_space<vmem>>
      %dma_start3A_526 = arith.constant 0 : i32
      %dma_start3A_527 = arith.constant 0 : i32
      %dma_start3A_528 = tpu.memref_slice %arg3[%dma_start3A_526, %dma_start3A_527] : memref<1000000x32xf32, #tpu.memory_space<hbm>> -> memref<1000000x32xf32, #tpu.memory_space<hbm>>
      %dma_start3A_529 = tpu.memref_slice %arg8[%dma_start3A_517, %dma_start3A_518] : memref<2x8x!tpu.dma_semaphore, #tpu.memory_space<semaphore_mem>> -> memref<1x1x!tpu.dma_semaphore, #tpu.memory_space<semaphore_mem>>
      %dma_start3A_530 = tpu.memref_squeeze %dma_start3A_529 : memref<1x1x!tpu.dma_semaphore, #tpu.memory_space<semaphore_mem>> -> memref<!tpu.dma_semaphore, #tpu.memory_space<semaphore_mem>>
      tpu.enqueue_indirect_dma source(%dma_start3A_528 : memref<1000000x32xf32, #tpu.memory_space<hbm>>) target(%dma_start3A_522 : memref<200x32xf32, #tpu.memory_space<vmem>>) offsets(%dma_start3A_525 : memref<200xi32, #tpu.memory_space<vmem>>) semaphore(%dma_start3A_530 : memref<!tpu.dma_semaphore, #tpu.memory_space<semaphore_mem>>)
      %dma_start3A_531 = arith.constant 1 : i32
      %dma_start3A_532 = arith.constant 1 : i32
      %dma_start3A_533 = arith.constant 6 : i32
      %dma_start3A_534 = arith.constant 1 : i32
      %dma_start3A_535 = arith.constant 6 : i32
      %dma_start3A_536 = arith.constant 0 : i32
      %dma_start3A_537 = arith.constant 0 : i32
      %dma_start3A_538 = tpu.memref_slice %arg6[%dma_start3A_532, %dma_start3A_533, %dma_start3A_536, %dma_start3A_537] : memref<2x8x200x32xf32, #tpu.memory_space<vmem>> -> memref<1x1x200x32xf32, #tpu.memory_space<vmem>>
      %dma_start3A_539 = tpu.memref_squeeze %dma_start3A_538 : memref<1x1x200x32xf32, #tpu.memory_space<vmem>> -> memref<200x32xf32, #tpu.memory_space<vmem>>
      %dma_start3A_540 = arith.constant 1200 : i32
      %dma_start3A_541 = tpu.memref_slice %arg5[%dma_start3A_531, %dma_start3A_540] : memref<2x1600xi32, #tpu.memory_space<vmem>> -> memref<1x200xi32, #tpu.memory_space<vmem>>
      %dma_start3A_542 = tpu.memref_squeeze %dma_start3A_541 : memref<1x200xi32, #tpu.memory_space<vmem>> -> memref<200xi32, #tpu.memory_space<vmem>>
      %dma_start3A_543 = arith.constant 0 : i32
      %dma_start3A_544 = arith.constant 0 : i32
      %dma_start3A_545 = tpu.memref_slice %arg3[%dma_start3A_543, %dma_start3A_544] : memref<1000000x32xf32, #tpu.memory_space<hbm>> -> memref<1000000x32xf32, #tpu.memory_space<hbm>>
      %dma_start3A_546 = tpu.memref_slice %arg8[%dma_start3A_534, %dma_start3A_535] : memref<2x8x!tpu.dma_semaphore, #tpu.memory_space<semaphore_mem>> -> memref<1x1x!tpu.dma_semaphore, #tpu.memory_space<semaphore_mem>>
      %dma_start3A_547 = tpu.memref_squeeze %dma_start3A_546 : memref<1x1x!tpu.dma_semaphore, #tpu.memory_space<semaphore_mem>> -> memref<!tpu.dma_semaphore, #tpu.memory_space<semaphore_mem>>
      tpu.enqueue_indirect_dma source(%dma_start3A_545 : memref<1000000x32xf32, #tpu.memory_space<hbm>>) target(%dma_start3A_539 : memref<200x32xf32, #tpu.memory_space<vmem>>) offsets(%dma_start3A_542 : memref<200xi32, #tpu.memory_space<vmem>>) semaphore(%dma_start3A_547 : memref<!tpu.dma_semaphore, #tpu.memory_space<semaphore_mem>>)
      %dma_start3A_548 = arith.constant 1 : i32
      %dma_start3A_549 = arith.constant 1 : i32
      %dma_start3A_550 = arith.constant 7 : i32
      %dma_start3A_551 = arith.constant 1 : i32
      %dma_start3A_552 = arith.constant 7 : i32
      %dma_start3A_553 = arith.constant 0 : i32
      %dma_start3A_554 = arith.constant 0 : i32
      %dma_start3A_555 = tpu.memref_slice %arg6[%dma_start3A_549, %dma_start3A_550, %dma_start3A_553, %dma_start3A_554] : memref<2x8x200x32xf32, #tpu.memory_space<vmem>> -> memref<1x1x200x32xf32, #tpu.memory_space<vmem>>
      %dma_start3A_556 = tpu.memref_squeeze %dma_start3A_555 : memref<1x1x200x32xf32, #tpu.memory_space<vmem>> -> memref<200x32xf32, #tpu.memory_space<vmem>>
      %dma_start3A_557 = arith.constant 1400 : i32
      %dma_start3A_558 = tpu.memref_slice %arg5[%dma_start3A_548, %dma_start3A_557] : memref<2x1600xi32, #tpu.memory_space<vmem>> -> memref<1x200xi32, #tpu.memory_space<vmem>>
      %dma_start3A_559 = tpu.memref_squeeze %dma_start3A_558 : memref<1x200xi32, #tpu.memory_space<vmem>> -> memref<200xi32, #tpu.memory_space<vmem>>
      %dma_start3A_560 = arith.constant 0 : i32
      %dma_start3A_561 = arith.constant 0 : i32
      %dma_start3A_562 = tpu.memref_slice %arg3[%dma_start3A_560, %dma_start3A_561] : memref<1000000x32xf32, #tpu.memory_space<hbm>> -> memref<1000000x32xf32, #tpu.memory_space<hbm>>
      %dma_start3A_563 = tpu.memref_slice %arg8[%dma_start3A_551, %dma_start3A_552] : memref<2x8x!tpu.dma_semaphore, #tpu.memory_space<semaphore_mem>> -> memref<1x1x!tpu.dma_semaphore, #tpu.memory_space<semaphore_mem>>
      %dma_start3A_564 = tpu.memref_squeeze %dma_start3A_563 : memref<1x1x!tpu.dma_semaphore, #tpu.memory_space<semaphore_mem>> -> memref<!tpu.dma_semaphore, #tpu.memory_space<semaphore_mem>>
      tpu.enqueue_indirect_dma source(%dma_start3A_562 : memref<1000000x32xf32, #tpu.memory_space<hbm>>) target(%dma_start3A_556 : memref<200x32xf32, #tpu.memory_space<vmem>>) offsets(%dma_start3A_559 : memref<200xi32, #tpu.memory_space<vmem>>) semaphore(%dma_start3A_564 : memref<!tpu.dma_semaphore, #tpu.memory_space<semaphore_mem>>)
      %dma_wait3A_565 = arith.constant 1 : i32
      %dma_wait3A_566 = arith.constant 1 : i32
      %dma_wait3A_567 = arith.constant 0 : i32
      %dma_wait3A_568 = arith.constant 1 : i32
      %dma_wait3A_569 = arith.constant 0 : i32
      %dma_wait3A_570 = arith.constant 0 : i32
      %dma_wait3A_571 = arith.constant 0 : i32
      %dma_wait3A_572 = tpu.memref_slice %arg6[%dma_wait3A_566, %dma_wait3A_567, %dma_wait3A_570, %dma_wait3A_571] : memref<2x8x200x32xf32, #tpu.memory_space<vmem>> -> memref<1x1x200x32xf32, #tpu.memory_space<vmem>>
      %dma_wait3A_573 = tpu.memref_squeeze %dma_wait3A_572 : memref<1x1x200x32xf32, #tpu.memory_space<vmem>> -> memref<200x32xf32, #tpu.memory_space<vmem>>
      %dma_wait3A_574 = arith.constant 0 : i32
      %dma_wait3A_575 = tpu.memref_slice %arg5[%dma_wait3A_565, %dma_wait3A_574] : memref<2x1600xi32, #tpu.memory_space<vmem>> -> memref<1x200xi32, #tpu.memory_space<vmem>>
      %dma_wait3A_576 = tpu.memref_squeeze %dma_wait3A_575 : memref<1x200xi32, #tpu.memory_space<vmem>> -> memref<200xi32, #tpu.memory_space<vmem>>
      %dma_wait3A_577 = arith.constant 0 : i32
      %dma_wait3A_578 = arith.constant 0 : i32
      %dma_wait3A_579 = tpu.memref_slice %arg3[%dma_wait3A_577, %dma_wait3A_578] : memref<1000000x32xf32, #tpu.memory_space<hbm>> -> memref<1000000x32xf32, #tpu.memory_space<hbm>>
      %dma_wait3A_580 = tpu.memref_slice %arg8[%dma_wait3A_568, %dma_wait3A_569] : memref<2x8x!tpu.dma_semaphore, #tpu.memory_space<semaphore_mem>> -> memref<1x1x!tpu.dma_semaphore, #tpu.memory_space<semaphore_mem>>
      %dma_wait3A_581 = tpu.memref_squeeze %dma_wait3A_580 : memref<1x1x!tpu.dma_semaphore, #tpu.memory_space<semaphore_mem>> -> memref<!tpu.dma_semaphore, #tpu.memory_space<semaphore_mem>>
      tpu.wait_indirect_dma semaphore(%dma_wait3A_581 : memref<!tpu.dma_semaphore, #tpu.memory_space<semaphore_mem>>) src(%dma_wait3A_579 : memref<1000000x32xf32, #tpu.memory_space<hbm>>) dst(%dma_wait3A_573 : memref<200x32xf32, #tpu.memory_space<vmem>>)
      %dma_wait3A_582 = arith.constant 1 : i32
      %dma_wait3A_583 = arith.constant 1 : i32
      %dma_wait3A_584 = arith.constant 1 : i32
      %dma_wait3A_585 = arith.constant 1 : i32
      %dma_wait3A_586 = arith.constant 1 : i32
      %dma_wait3A_587 = arith.constant 0 : i32
      %dma_wait3A_588 = arith.constant 0 : i32
      %dma_wait3A_589 = tpu.memref_slice %arg6[%dma_wait3A_583, %dma_wait3A_584, %dma_wait3A_587, %dma_wait3A_588] : memref<2x8x200x32xf32, #tpu.memory_space<vmem>> -> memref<1x1x200x32xf32, #tpu.memory_space<vmem>>
      %dma_wait3A_590 = tpu.memref_squeeze %dma_wait3A_589 : memref<1x1x200x32xf32, #tpu.memory_space<vmem>> -> memref<200x32xf32, #tpu.memory_space<vmem>>
      %dma_wait3A_591 = arith.constant 200 : i32
      %dma_wait3A_592 = tpu.memref_slice %arg5[%dma_wait3A_582, %dma_wait3A_591] : memref<2x1600xi32, #tpu.memory_space<vmem>> -> memref<1x200xi32, #tpu.memory_space<vmem>>
      %dma_wait3A_593 = tpu.memref_squeeze %dma_wait3A_592 : memref<1x200xi32, #tpu.memory_space<vmem>> -> memref<200xi32, #tpu.memory_space<vmem>>
      %dma_wait3A_594 = arith.constant 0 : i32
      %dma_wait3A_595 = arith.constant 0 : i32
      %dma_wait3A_596 = tpu.memref_slice %arg3[%dma_wait3A_594, %dma_wait3A_595] : memref<1000000x32xf32, #tpu.memory_space<hbm>> -> memref<1000000x32xf32, #tpu.memory_space<hbm>>
      %dma_wait3A_597 = tpu.memref_slice %arg8[%dma_wait3A_585, %dma_wait3A_586] : memref<2x8x!tpu.dma_semaphore, #tpu.memory_space<semaphore_mem>> -> memref<1x1x!tpu.dma_semaphore, #tpu.memory_space<semaphore_mem>>
      %dma_wait3A_598 = tpu.memref_squeeze %dma_wait3A_597 : memref<1x1x!tpu.dma_semaphore, #tpu.memory_space<semaphore_mem>> -> memref<!tpu.dma_semaphore, #tpu.memory_space<semaphore_mem>>
      tpu.wait_indirect_dma semaphore(%dma_wait3A_598 : memref<!tpu.dma_semaphore, #tpu.memory_space<semaphore_mem>>) src(%dma_wait3A_596 : memref<1000000x32xf32, #tpu.memory_space<hbm>>) dst(%dma_wait3A_590 : memref<200x32xf32, #tpu.memory_space<vmem>>)
      %dma_wait3A_599 = arith.constant 1 : i32
      %dma_wait3A_600 = arith.constant 1 : i32
      %dma_wait3A_601 = arith.constant 2 : i32
      %dma_wait3A_602 = arith.constant 1 : i32
      %dma_wait3A_603 = arith.constant 2 : i32
      %dma_wait3A_604 = arith.constant 0 : i32
      %dma_wait3A_605 = arith.constant 0 : i32
      %dma_wait3A_606 = tpu.memref_slice %arg6[%dma_wait3A_600, %dma_wait3A_601, %dma_wait3A_604, %dma_wait3A_605] : memref<2x8x200x32xf32, #tpu.memory_space<vmem>> -> memref<1x1x200x32xf32, #tpu.memory_space<vmem>>
      %dma_wait3A_607 = tpu.memref_squeeze %dma_wait3A_606 : memref<1x1x200x32xf32, #tpu.memory_space<vmem>> -> memref<200x32xf32, #tpu.memory_space<vmem>>
      %dma_wait3A_608 = arith.constant 400 : i32
      %dma_wait3A_609 = tpu.memref_slice %arg5[%dma_wait3A_599, %dma_wait3A_608] : memref<2x1600xi32, #tpu.memory_space<vmem>> -> memref<1x200xi32, #tpu.memory_space<vmem>>
      %dma_wait3A_610 = tpu.memref_squeeze %dma_wait3A_609 : memref<1x200xi32, #tpu.memory_space<vmem>> -> memref<200xi32, #tpu.memory_space<vmem>>
      %dma_wait3A_611 = arith.constant 0 : i32
      %dma_wait3A_612 = arith.constant 0 : i32
      %dma_wait3A_613 = tpu.memref_slice %arg3[%dma_wait3A_611, %dma_wait3A_612] : memref<1000000x32xf32, #tpu.memory_space<hbm>> -> memref<1000000x32xf32, #tpu.memory_space<hbm>>
      %dma_wait3A_614 = tpu.memref_slice %arg8[%dma_wait3A_602, %dma_wait3A_603] : memref<2x8x!tpu.dma_semaphore, #tpu.memory_space<semaphore_mem>> -> memref<1x1x!tpu.dma_semaphore, #tpu.memory_space<semaphore_mem>>
      %dma_wait3A_615 = tpu.memref_squeeze %dma_wait3A_614 : memref<1x1x!tpu.dma_semaphore, #tpu.memory_space<semaphore_mem>> -> memref<!tpu.dma_semaphore, #tpu.memory_space<semaphore_mem>>
      tpu.wait_indirect_dma semaphore(%dma_wait3A_615 : memref<!tpu.dma_semaphore, #tpu.memory_space<semaphore_mem>>) src(%dma_wait3A_613 : memref<1000000x32xf32, #tpu.memory_space<hbm>>) dst(%dma_wait3A_607 : memref<200x32xf32, #tpu.memory_space<vmem>>)
      %dma_wait3A_616 = arith.constant 1 : i32
      %dma_wait3A_617 = arith.constant 1 : i32
      %dma_wait3A_618 = arith.constant 3 : i32
      %dma_wait3A_619 = arith.constant 1 : i32
      %dma_wait3A_620 = arith.constant 3 : i32
      %dma_wait3A_621 = arith.constant 0 : i32
      %dma_wait3A_622 = arith.constant 0 : i32
      %dma_wait3A_623 = tpu.memref_slice %arg6[%dma_wait3A_617, %dma_wait3A_618, %dma_wait3A_621, %dma_wait3A_622] : memref<2x8x200x32xf32, #tpu.memory_space<vmem>> -> memref<1x1x200x32xf32, #tpu.memory_space<vmem>>
      %dma_wait3A_624 = tpu.memref_squeeze %dma_wait3A_623 : memref<1x1x200x32xf32, #tpu.memory_space<vmem>> -> memref<200x32xf32, #tpu.memory_space<vmem>>
      %dma_wait3A_625 = arith.constant 600 : i32
      %dma_wait3A_626 = tpu.memref_slice %arg5[%dma_wait3A_616, %dma_wait3A_625] : memref<2x1600xi32, #tpu.memory_space<vmem>> -> memref<1x200xi32, #tpu.memory_space<vmem>>
      %dma_wait3A_627 = tpu.memref_squeeze %dma_wait3A_626 : memref<1x200xi32, #tpu.memory_space<vmem>> -> memref<200xi32, #tpu.memory_space<vmem>>
      %dma_wait3A_628 = arith.constant 0 : i32
      %dma_wait3A_629 = arith.constant 0 : i32
      %dma_wait3A_630 = tpu.memref_slice %arg3[%dma_wait3A_628, %dma_wait3A_629] : memref<1000000x32xf32, #tpu.memory_space<hbm>> -> memref<1000000x32xf32, #tpu.memory_space<hbm>>
      %dma_wait3A_631 = tpu.memref_slice %arg8[%dma_wait3A_619, %dma_wait3A_620] : memref<2x8x!tpu.dma_semaphore, #tpu.memory_space<semaphore_mem>> -> memref<1x1x!tpu.dma_semaphore, #tpu.memory_space<semaphore_mem>>
      %dma_wait3A_632 = tpu.memref_squeeze %dma_wait3A_631 : memref<1x1x!tpu.dma_semaphore, #tpu.memory_space<semaphore_mem>> -> memref<!tpu.dma_semaphore, #tpu.memory_space<semaphore_mem>>
      tpu.wait_indirect_dma semaphore(%dma_wait3A_632 : memref<!tpu.dma_semaphore, #tpu.memory_space<semaphore_mem>>) src(%dma_wait3A_630 : memref<1000000x32xf32, #tpu.memory_space<hbm>>) dst(%dma_wait3A_624 : memref<200x32xf32, #tpu.memory_space<vmem>>)
      %dma_wait3A_633 = arith.constant 1 : i32
      %dma_wait3A_634 = arith.constant 1 : i32
      %dma_wait3A_635 = arith.constant 4 : i32
      %dma_wait3A_636 = arith.constant 1 : i32
      %dma_wait3A_637 = arith.constant 4 : i32
      %dma_wait3A_638 = arith.constant 0 : i32
      %dma_wait3A_639 = arith.constant 0 : i32
      %dma_wait3A_640 = tpu.memref_slice %arg6[%dma_wait3A_634, %dma_wait3A_635, %dma_wait3A_638, %dma_wait3A_639] : memref<2x8x200x32xf32, #tpu.memory_space<vmem>> -> memref<1x1x200x32xf32, #tpu.memory_space<vmem>>
      %dma_wait3A_641 = tpu.memref_squeeze %dma_wait3A_640 : memref<1x1x200x32xf32, #tpu.memory_space<vmem>> -> memref<200x32xf32, #tpu.memory_space<vmem>>
      %dma_wait3A_642 = arith.constant 800 : i32
      %dma_wait3A_643 = tpu.memref_slice %arg5[%dma_wait3A_633, %dma_wait3A_642] : memref<2x1600xi32, #tpu.memory_space<vmem>> -> memref<1x200xi32, #tpu.memory_space<vmem>>
      %dma_wait3A_644 = tpu.memref_squeeze %dma_wait3A_643 : memref<1x200xi32, #tpu.memory_space<vmem>> -> memref<200xi32, #tpu.memory_space<vmem>>
      %dma_wait3A_645 = arith.constant 0 : i32
      %dma_wait3A_646 = arith.constant 0 : i32
      %dma_wait3A_647 = tpu.memref_slice %arg3[%dma_wait3A_645, %dma_wait3A_646] : memref<1000000x32xf32, #tpu.memory_space<hbm>> -> memref<1000000x32xf32, #tpu.memory_space<hbm>>
      %dma_wait3A_648 = tpu.memref_slice %arg8[%dma_wait3A_636, %dma_wait3A_637] : memref<2x8x!tpu.dma_semaphore, #tpu.memory_space<semaphore_mem>> -> memref<1x1x!tpu.dma_semaphore, #tpu.memory_space<semaphore_mem>>
      %dma_wait3A_649 = tpu.memref_squeeze %dma_wait3A_648 : memref<1x1x!tpu.dma_semaphore, #tpu.memory_space<semaphore_mem>> -> memref<!tpu.dma_semaphore, #tpu.memory_space<semaphore_mem>>
      tpu.wait_indirect_dma semaphore(%dma_wait3A_649 : memref<!tpu.dma_semaphore, #tpu.memory_space<semaphore_mem>>) src(%dma_wait3A_647 : memref<1000000x32xf32, #tpu.memory_space<hbm>>) dst(%dma_wait3A_641 : memref<200x32xf32, #tpu.memory_space<vmem>>)
      %dma_wait3A_650 = arith.constant 1 : i32
      %dma_wait3A_651 = arith.constant 1 : i32
      %dma_wait3A_652 = arith.constant 5 : i32
      %dma_wait3A_653 = arith.constant 1 : i32
      %dma_wait3A_654 = arith.constant 5 : i32
      %dma_wait3A_655 = arith.constant 0 : i32
      %dma_wait3A_656 = arith.constant 0 : i32
      %dma_wait3A_657 = tpu.memref_slice %arg6[%dma_wait3A_651, %dma_wait3A_652, %dma_wait3A_655, %dma_wait3A_656] : memref<2x8x200x32xf32, #tpu.memory_space<vmem>> -> memref<1x1x200x32xf32, #tpu.memory_space<vmem>>
      %dma_wait3A_658 = tpu.memref_squeeze %dma_wait3A_657 : memref<1x1x200x32xf32, #tpu.memory_space<vmem>> -> memref<200x32xf32, #tpu.memory_space<vmem>>
      %dma_wait3A_659 = arith.constant 1000 : i32
      %dma_wait3A_660 = tpu.memref_slice %arg5[%dma_wait3A_650, %dma_wait3A_659] : memref<2x1600xi32, #tpu.memory_space<vmem>> -> memref<1x200xi32, #tpu.memory_space<vmem>>
      %dma_wait3A_661 = tpu.memref_squeeze %dma_wait3A_660 : memref<1x200xi32, #tpu.memory_space<vmem>> -> memref<200xi32, #tpu.memory_space<vmem>>
      %dma_wait3A_662 = arith.constant 0 : i32
      %dma_wait3A_663 = arith.constant 0 : i32
      %dma_wait3A_664 = tpu.memref_slice %arg3[%dma_wait3A_662, %dma_wait3A_663] : memref<1000000x32xf32, #tpu.memory_space<hbm>> -> memref<1000000x32xf32, #tpu.memory_space<hbm>>
      %dma_wait3A_665 = tpu.memref_slice %arg8[%dma_wait3A_653, %dma_wait3A_654] : memref<2x8x!tpu.dma_semaphore, #tpu.memory_space<semaphore_mem>> -> memref<1x1x!tpu.dma_semaphore, #tpu.memory_space<semaphore_mem>>
      %dma_wait3A_666 = tpu.memref_squeeze %dma_wait3A_665 : memref<1x1x!tpu.dma_semaphore, #tpu.memory_space<semaphore_mem>> -> memref<!tpu.dma_semaphore, #tpu.memory_space<semaphore_mem>>
      tpu.wait_indirect_dma semaphore(%dma_wait3A_666 : memref<!tpu.dma_semaphore, #tpu.memory_space<semaphore_mem>>) src(%dma_wait3A_664 : memref<1000000x32xf32, #tpu.memory_space<hbm>>) dst(%dma_wait3A_658 : memref<200x32xf32, #tpu.memory_space<vmem>>)
      %dma_wait3A_667 = arith.constant 1 : i32
      %dma_wait3A_668 = arith.constant 1 : i32
      %dma_wait3A_669 = arith.constant 6 : i32
      %dma_wait3A_670 = arith.constant 1 : i32
      %dma_wait3A_671 = arith.constant 6 : i32
      %dma_wait3A_672 = arith.constant 0 : i32
      %dma_wait3A_673 = arith.constant 0 : i32
      %dma_wait3A_674 = tpu.memref_slice %arg6[%dma_wait3A_668, %dma_wait3A_669, %dma_wait3A_672, %dma_wait3A_673] : memref<2x8x200x32xf32, #tpu.memory_space<vmem>> -> memref<1x1x200x32xf32, #tpu.memory_space<vmem>>
      %dma_wait3A_675 = tpu.memref_squeeze %dma_wait3A_674 : memref<1x1x200x32xf32, #tpu.memory_space<vmem>> -> memref<200x32xf32, #tpu.memory_space<vmem>>
      %dma_wait3A_676 = arith.constant 1200 : i32
      %dma_wait3A_677 = tpu.memref_slice %arg5[%dma_wait3A_667, %dma_wait3A_676] : memref<2x1600xi32, #tpu.memory_space<vmem>> -> memref<1x200xi32, #tpu.memory_space<vmem>>
      %dma_wait3A_678 = tpu.memref_squeeze %dma_wait3A_677 : memref<1x200xi32, #tpu.memory_space<vmem>> -> memref<200xi32, #tpu.memory_space<vmem>>
      %dma_wait3A_679 = arith.constant 0 : i32
      %dma_wait3A_680 = arith.constant 0 : i32
      %dma_wait3A_681 = tpu.memref_slice %arg3[%dma_wait3A_679, %dma_wait3A_680] : memref<1000000x32xf32, #tpu.memory_space<hbm>> -> memref<1000000x32xf32, #tpu.memory_space<hbm>>
      %dma_wait3A_682 = tpu.memref_slice %arg8[%dma_wait3A_670, %dma_wait3A_671] : memref<2x8x!tpu.dma_semaphore, #tpu.memory_space<semaphore_mem>> -> memref<1x1x!tpu.dma_semaphore, #tpu.memory_space<semaphore_mem>>
      %dma_wait3A_683 = tpu.memref_squeeze %dma_wait3A_682 : memref<1x1x!tpu.dma_semaphore, #tpu.memory_space<semaphore_mem>> -> memref<!tpu.dma_semaphore, #tpu.memory_space<semaphore_mem>>
      tpu.wait_indirect_dma semaphore(%dma_wait3A_683 : memref<!tpu.dma_semaphore, #tpu.memory_space<semaphore_mem>>) src(%dma_wait3A_681 : memref<1000000x32xf32, #tpu.memory_space<hbm>>) dst(%dma_wait3A_675 : memref<200x32xf32, #tpu.memory_space<vmem>>)
      %dma_wait3A_684 = arith.constant 1 : i32
      %dma_wait3A_685 = arith.constant 1 : i32
      %dma_wait3A_686 = arith.constant 7 : i32
      %dma_wait3A_687 = arith.constant 1 : i32
      %dma_wait3A_688 = arith.constant 7 : i32
      %dma_wait3A_689 = arith.constant 0 : i32
      %dma_wait3A_690 = arith.constant 0 : i32
      %dma_wait3A_691 = tpu.memref_slice %arg6[%dma_wait3A_685, %dma_wait3A_686, %dma_wait3A_689, %dma_wait3A_690] : memref<2x8x200x32xf32, #tpu.memory_space<vmem>> -> memref<1x1x200x32xf32, #tpu.memory_space<vmem>>
      %dma_wait3A_692 = tpu.memref_squeeze %dma_wait3A_691 : memref<1x1x200x32xf32, #tpu.memory_space<vmem>> -> memref<200x32xf32, #tpu.memory_space<vmem>>
      %dma_wait3A_693 = arith.constant 1400 : i32
      %dma_wait3A_694 = tpu.memref_slice %arg5[%dma_wait3A_684, %dma_wait3A_693] : memref<2x1600xi32, #tpu.memory_space<vmem>> -> memref<1x200xi32, #tpu.memory_space<vmem>>
      %dma_wait3A_695 = tpu.memref_squeeze %dma_wait3A_694 : memref<1x200xi32, #tpu.memory_space<vmem>> -> memref<200xi32, #tpu.memory_space<vmem>>
      %dma_wait3A_696 = arith.constant 0 : i32
      %dma_wait3A_697 = arith.constant 0 : i32
      %dma_wait3A_698 = tpu.memref_slice %arg3[%dma_wait3A_696, %dma_wait3A_697] : memref<1000000x32xf32, #tpu.memory_space<hbm>> -> memref<1000000x32xf32, #tpu.memory_space<hbm>>
      %dma_wait3A_699 = tpu.memref_slice %arg8[%dma_wait3A_687, %dma_wait3A_688] : memref<2x8x!tpu.dma_semaphore, #tpu.memory_space<semaphore_mem>> -> memref<1x1x!tpu.dma_semaphore, #tpu.memory_space<semaphore_mem>>
      %dma_wait3A_700 = tpu.memref_squeeze %dma_wait3A_699 : memref<1x1x!tpu.dma_semaphore, #tpu.memory_space<semaphore_mem>> -> memref<!tpu.dma_semaphore, #tpu.memory_space<semaphore_mem>>
      tpu.wait_indirect_dma semaphore(%dma_wait3A_700 : memref<!tpu.dma_semaphore, #tpu.memory_space<semaphore_mem>>) src(%dma_wait3A_698 : memref<1000000x32xf32, #tpu.memory_space<hbm>>) dst(%dma_wait3A_692 : memref<200x32xf32, #tpu.memory_space<vmem>>)
      %add3A_701 = arith.constant 2 : i32
      %add3A_702 = arith.addi %add3A_408, %add3A_701 : i32
      %lt3A_703 = arith.constant 64 : i32
      %lt3A_704 = arith.cmpi slt, %add3A_702, %lt3A_703 : i32
      %convert_element_type3A_705 = arith.extui %lt3A_704 : i1 to i32
      %cond3A_706 = arith.constant 0 : i32
      %cond3A_707 = arith.cmpi ne, %convert_element_type3A_705, %cond3A_706 : i32
      scf.if %cond3A_707 {
        %add3A_731 = arith.constant 2 : i32
        %add3A_732 = arith.addi %add3A_408, %add3A_731 : i32
        %mul3A_733 = arith.constant 1600 : i32
        %mul3A_734 = arith.muli %add3A_732, %mul3A_733 : i32
        %add3A_735 = arith.addi %mul3A_4, %mul3A_734 : i32
        %dma_start3A_736 = arith.constant 1 : i32
        %dma_start3A_737 = arith.constant 1 : i32
        %dma_start3A_738 = arith.constant 0 : i32
        %dma_start3A_739 = tpu.memref_slice %arg5[%dma_start3A_736, %dma_start3A_738] : memref<2x1600xi32, #tpu.memory_space<vmem>> -> memref<1x1600xi32, #tpu.memory_space<vmem>>
        %dma_start3A_740 = tpu.memref_squeeze %dma_start3A_739 : memref<1x1600xi32, #tpu.memory_space<vmem>> -> memref<1600xi32, #tpu.memory_space<vmem>>
        %dma_start3A_741 = tpu.memref_slice %arg2[%add3A_735] : memref<3276800xi32, #tpu.memory_space<hbm>> -> memref<1600xi32, #tpu.memory_space<hbm>>
        %dma_start3A_742 = tpu.memref_slice %arg7[%dma_start3A_737] : memref<2x!tpu.dma_semaphore, #tpu.memory_space<semaphore_mem>> -> memref<1x!tpu.dma_semaphore, #tpu.memory_space<semaphore_mem>>
        %dma_start3A_743 = tpu.memref_squeeze %dma_start3A_742 : memref<1x!tpu.dma_semaphore, #tpu.memory_space<semaphore_mem>> -> memref<!tpu.dma_semaphore, #tpu.memory_space<semaphore_mem>>
        %dma_start3A_744 = arith.constant 0 : i32
        %dma_start3A_745 = tpu.memref_slice %arg5[%dma_start3A_736, %dma_start3A_744] : memref<2x1600xi32, #tpu.memory_space<vmem>> -> memref<1x1600xi32, #tpu.memory_space<vmem>>
        %dma_start3A_746 = tpu.memref_squeeze %dma_start3A_745 : memref<1x1600xi32, #tpu.memory_space<vmem>> -> memref<1600xi32, #tpu.memory_space<vmem>>
        %dma_start3A_747 = tpu.memref_slice %arg2[%add3A_735] : memref<3276800xi32, #tpu.memory_space<hbm>> -> memref<1600xi32, #tpu.memory_space<hbm>>
        tpu.enqueue_dma source(%dma_start3A_747 : memref<1600xi32, #tpu.memory_space<hbm>>) target(%dma_start3A_746 : memref<1600xi32, #tpu.memory_space<vmem>>) target_semaphore(%dma_start3A_743 : memref<!tpu.dma_semaphore, #tpu.memory_space<semaphore_mem>>)
      } else {
      }
      %mul3A_708 = arith.constant 8 : i32
      %mul3A_709 = arith.muli %add3A_408, %mul3A_708 : i32
      %add3A_710 = arith.addi %mul3A_6, %mul3A_709 : i32
      %dma_start3A_711 = arith.constant 1 : i32
      %dma_start3A_712 = arith.constant 1 : i32
      %dma_start3A_713 = arith.constant 0 : i32
      %dma_start3A_714 = arith.constant 0 : i32
      %dma_start3A_715 = arith.constant 0 : i32
      %dma_start3A_716 = tpu.memref_slice %arg6[%dma_start3A_711, %dma_start3A_713, %dma_start3A_714, %dma_start3A_715] : memref<2x8x200x32xf32, #tpu.memory_space<vmem>> -> memref<1x8x200x32xf32, #tpu.memory_space<vmem>>
      %dma_start3A_717 = tpu.memref_squeeze %dma_start3A_716 : memref<1x8x200x32xf32, #tpu.memory_space<vmem>> -> memref<8x200x32xf32, #tpu.memory_space<vmem>>
      %dma_start3A_718 = arith.constant 0 : i32
      %dma_start3A_719 = arith.constant 0 : i32
      %dma_start3A_720 = tpu.memref_slice %arg4[%add3A_710, %dma_start3A_718, %dma_start3A_719] : memref<16384x200x32xf32, #tpu.memory_space<hbm>> -> memref<8x200x32xf32, #tpu.memory_space<hbm>>
      %dma_start3A_721 = tpu.memref_slice %arg9[%dma_start3A_712] : memref<2x!tpu.dma_semaphore, #tpu.memory_space<semaphore_mem>> -> memref<1x!tpu.dma_semaphore, #tpu.memory_space<semaphore_mem>>
      %dma_start3A_722 = tpu.memref_squeeze %dma_start3A_721 : memref<1x!tpu.dma_semaphore, #tpu.memory_space<semaphore_mem>> -> memref<!tpu.dma_semaphore, #tpu.memory_space<semaphore_mem>>
      %dma_start3A_723 = arith.constant 0 : i32
      %dma_start3A_724 = arith.constant 0 : i32
      %dma_start3A_725 = tpu.memref_slice %arg4[%add3A_710, %dma_start3A_723, %dma_start3A_724] : memref<16384x200x32xf32, #tpu.memory_space<hbm>> -> memref<8x200x32xf32, #tpu.memory_space<hbm>>
      %dma_start3A_726 = arith.constant 0 : i32
      %dma_start3A_727 = arith.constant 0 : i32
      %dma_start3A_728 = arith.constant 0 : i32
      %dma_start3A_729 = tpu.memref_slice %arg6[%dma_start3A_711, %dma_start3A_726, %dma_start3A_727, %dma_start3A_728] : memref<2x8x200x32xf32, #tpu.memory_space<vmem>> -> memref<1x8x200x32xf32, #tpu.memory_space<vmem>>
      %dma_start3A_730 = tpu.memref_squeeze %dma_start3A_729 : memref<1x8x200x32xf32, #tpu.memory_space<vmem>> -> memref<8x200x32xf32, #tpu.memory_space<vmem>>
      tpu.enqueue_dma source(%dma_start3A_730 : memref<8x200x32xf32, #tpu.memory_space<vmem>>) target(%dma_start3A_725 : memref<8x200x32xf32, #tpu.memory_space<hbm>>) target_semaphore(%dma_start3A_722 : memref<!tpu.dma_semaphore, #tpu.memory_space<semaphore_mem>>)
    }
    %scan3A_38 = arith.constant 32 : i32
    %add3A_39 = arith.constant 496 : i32
    %add3A_40 = arith.addi %mul3A_6, %add3A_39 : i32
    %dma_wait3A = arith.constant 0 : i32
    %dma_wait3A_41 = arith.constant 0 : i32
    %dma_wait3A_42 = arith.constant 0 : i32
    %dma_wait3A_43 = arith.constant 0 : i32
    %dma_wait3A_44 = arith.constant 0 : i32
    %dma_wait3A_45 = tpu.memref_slice %arg6[%dma_wait3A, %dma_wait3A_42, %dma_wait3A_43, %dma_wait3A_44] : memref<2x8x200x32xf32, #tpu.memory_space<vmem>> -> memref<1x8x200x32xf32, #tpu.memory_space<vmem>>
    %dma_wait3A_46 = tpu.memref_squeeze %dma_wait3A_45 : memref<1x8x200x32xf32, #tpu.memory_space<vmem>> -> memref<8x200x32xf32, #tpu.memory_space<vmem>>
    %dma_wait3A_47 = arith.constant 0 : i32
    %dma_wait3A_48 = arith.constant 0 : i32
    %dma_wait3A_49 = tpu.memref_slice %arg4[%add3A_40, %dma_wait3A_47, %dma_wait3A_48] : memref<16384x200x32xf32, #tpu.memory_space<hbm>> -> memref<8x200x32xf32, #tpu.memory_space<hbm>>
    %dma_wait3A_50 = tpu.memref_slice %arg9[%dma_wait3A_41] : memref<2x!tpu.dma_semaphore, #tpu.memory_space<semaphore_mem>> -> memref<1x!tpu.dma_semaphore, #tpu.memory_space<semaphore_mem>>
    %dma_wait3A_51 = tpu.memref_squeeze %dma_wait3A_50 : memref<1x!tpu.dma_semaphore, #tpu.memory_space<semaphore_mem>> -> memref<!tpu.dma_semaphore, #tpu.memory_space<semaphore_mem>>
    %dma_wait3A_52 = arith.constant 0 : i32
    %dma_wait3A_53 = arith.constant 0 : i32
    %dma_wait3A_54 = tpu.memref_slice %arg4[%add3A_40, %dma_wait3A_52, %dma_wait3A_53] : memref<16384x200x32xf32, #tpu.memory_space<hbm>> -> memref<8x200x32xf32, #tpu.memory_space<hbm>>
    %dma_wait3A_55 = arith.constant 0 : i32
    %dma_wait3A_56 = arith.constant 0 : i32
    %dma_wait3A_57 = arith.constant 0 : i32
    %dma_wait3A_58 = tpu.memref_slice %arg6[%dma_wait3A, %dma_wait3A_55, %dma_wait3A_56, %dma_wait3A_57] : memref<2x8x200x32xf32, #tpu.memory_space<vmem>> -> memref<1x8x200x32xf32, #tpu.memory_space<vmem>>
    %dma_wait3A_59 = tpu.memref_squeeze %dma_wait3A_58 : memref<1x8x200x32xf32, #tpu.memory_space<vmem>> -> memref<8x200x32xf32, #tpu.memory_space<vmem>>
    tpu.wait_dma2 semaphore(%dma_wait3A_51 : memref<!tpu.dma_semaphore, #tpu.memory_space<semaphore_mem>>) src(%dma_wait3A_59 : memref<8x200x32xf32, #tpu.memory_space<vmem>>) dst(%dma_wait3A_54 : memref<8x200x32xf32, #tpu.memory_space<hbm>>)
    %add3A_60 = arith.constant 504 : i32
    %add3A_61 = arith.addi %mul3A_6, %add3A_60 : i32
    %dma_wait3A_62 = arith.constant 1 : i32
    %dma_wait3A_63 = arith.constant 1 : i32
    %dma_wait3A_64 = arith.constant 0 : i32
    %dma_wait3A_65 = arith.constant 0 : i32
    %dma_wait3A_66 = arith.constant 0 : i32
    %dma_wait3A_67 = tpu.memref_slice %arg6[%dma_wait3A_62, %dma_wait3A_64, %dma_wait3A_65, %dma_wait3A_66] : memref<2x8x200x32xf32, #tpu.memory_space<vmem>> -> memref<1x8x200x32xf32, #tpu.memory_space<vmem>>
    %dma_wait3A_68 = tpu.memref_squeeze %dma_wait3A_67 : memref<1x8x200x32xf32, #tpu.memory_space<vmem>> -> memref<8x200x32xf32, #tpu.memory_space<vmem>>
    %dma_wait3A_69 = arith.constant 0 : i32
    %dma_wait3A_70 = arith.constant 0 : i32
    %dma_wait3A_71 = tpu.memref_slice %arg4[%add3A_61, %dma_wait3A_69, %dma_wait3A_70] : memref<16384x200x32xf32, #tpu.memory_space<hbm>> -> memref<8x200x32xf32, #tpu.memory_space<hbm>>
    %dma_wait3A_72 = tpu.memref_slice %arg9[%dma_wait3A_63] : memref<2x!tpu.dma_semaphore, #tpu.memory_space<semaphore_mem>> -> memref<1x!tpu.dma_semaphore, #tpu.memory_space<semaphore_mem>>
    %dma_wait3A_73 = tpu.memref_squeeze %dma_wait3A_72 : memref<1x!tpu.dma_semaphore, #tpu.memory_space<semaphore_mem>> -> memref<!tpu.dma_semaphore, #tpu.memory_space<semaphore_mem>>
    %dma_wait3A_74 = arith.constant 0 : i32
    %dma_wait3A_75 = arith.constant 0 : i32
    %dma_wait3A_76 = tpu.memref_slice %arg4[%add3A_61, %dma_wait3A_74, %dma_wait3A_75] : memref<16384x200x32xf32, #tpu.memory_space<hbm>> -> memref<8x200x32xf32, #tpu.memory_space<hbm>>
    %dma_wait3A_77 = arith.constant 0 : i32
    %dma_wait3A_78 = arith.constant 0 : i32
    %dma_wait3A_79 = arith.constant 0 : i32
    %dma_wait3A_80 = tpu.memref_slice %arg6[%dma_wait3A_62, %dma_wait3A_77, %dma_wait3A_78, %dma_wait3A_79] : memref<2x8x200x32xf32, #tpu.memory_space<vmem>> -> memref<1x8x200x32xf32, #tpu.memory_space<vmem>>
    %dma_wait3A_81 = tpu.memref_squeeze %dma_wait3A_80 : memref<1x8x200x32xf32, #tpu.memory_space<vmem>> -> memref<8x200x32xf32, #tpu.memory_space<vmem>>
    tpu.wait_dma2 semaphore(%dma_wait3A_73 : memref<!tpu.dma_semaphore, #tpu.memory_space<semaphore_mem>>) src(%dma_wait3A_81 : memref<8x200x32xf32, #tpu.memory_space<vmem>>) dst(%dma_wait3A_76 : memref<8x200x32xf32, #tpu.memory_space<hbm>>)
    return
  }
}

</mosaic_0001>

<sc_bundles>
// kernel: kernel.3.cloned.1.call-start
scs
__scs_entry_jumppad:
0x0: {  	(pc) =	sbr.rel $0x88, $3  }
0x1: {  	(tag) =	ssettag $0x0;
	lr =	simm.s32 $0x1  }
0x2: {  	[smem:$0x3F9F] =	sst lr;
	_ =	strace $0xD0000000  }
0x3: {  	_ = 	snop  }
0x4: {  	_ = 	snop  }
0x5: {  	_ = 	snop  }
0x6: {  	_ = 	snop  }
0x7: {  	_ = 	snop  }
__scs_overlays_trampoline_lowered:
0x8: {  	[smem:$0x3FAE] =	sst s0  }
0x9: {  	[smem:$0x3FAF] =	sst s1  }
0xa: {  	[smem:$0x3FB0] =	sst s2  }
0xb: {  	[smem:$0x3FB1] =	sst s3  }
0xc: {  	[smem:$0x3FB2] =	sst s4  }
0xd: {  	[smem:$0x3FB3] =	sst s5  }
0xe: {  	[smem:$0x3FB4] =	sst s6  }
0xf: {  	[smem:$0x3FB5] =	sst s7  }
0x10: {  	[smem:$0x3FB6] =	sst s8  }
0x11: {  	[smem:$0x3FB7] =	sst s9;
	s0 =	simm.s32 @!p0 $0x0  }
0x12: {  	s1 =	sld [smem:$0x3F9D];
	s0 =	simm.s32 @p0 $0x1  }
0x13: {  	[smem:$0x3FB8] =	sst s0;
	s0 =	simm.s32 @!p1 $0x0  }
0x14: {  	s2 =	sld [smem:$0x3F9C];
	s0 =	simm.s32 @p1 $0x1  }
0x15: {  	[smem:$0x3FB9] =	sst s0;
	s0 =	simm.s32 @!p2 $0x0  }
0x16: {  	s3 =	sld [smem:$0x3FDB];
	s0 =	simm.s32 @p2 $0x1  }
0x17: {  	s4 =	simm.s32 $0x1BF5;
	[smem:$0x3FBB] =	sst s0  }
0x18: {  	s0 =	sld [smem:$0x3F9E];
	_ =	swait.ge [sflag:s4], $0x0  }
0x19: {  	s7 =	sld [smem:$0x3F9F]  }
0x1a: {  	s8 =	sadd.s32 $0xFFFFE003, lr  }
0x1b: {  	s9 =	sadd.s32 $0xFFFFFEF7, lr;
	s5 =	simm.s32 $0xFFFFFFFF;
	p2 =	slt.u32 s8, $0xFFFFF086  }
0x1c: {  	p1 =	slt.u32 s9, $0xF7A;
	s5 =	simm.s32 @!p2 $0x0  }
0x1d: {  	s5 =	simm.s32 @p1 $0x1;
	p0 =	seq.s32 s7, s2  }
0x1e: {  	s7 =	smul.u32 @!p0 $0xF7A, s2;
	p2 =	seq.s32 @!p0 s5, $0x0  }
0x1f: {  	s9 =	smul.u32 $0xF7A, s1;
	s8 =	simm.s32 @!p0 $0x1BF5;
	p2 =	por !p2, p0  }
0x20: {  	[sflag:s8] =	ssyncset.s32 @!p0 $0xFFFFF086;
	s6 =	sadd.s32 @!p0 s3, s7;
	s7 =	simm.s32 @!p0 $0x108  }
0x21: {  	s3 =	sadd.s32 s3, s9;
	s6 =	sadd.s32 @!p0 $0x88, s6;
	s7 =	simm.s32 @p2 $0x1082  }
0x22: {  	[simem:s7], [sflag:s8] =	dma.local @!p0 [hbm:s6], $0xF7A  }
0x23: {  	s9 =	sor.u32 $0xD0000000, s2;
	s6 =	simm.s32 $0x108;
	_ =	swait.ge @!p0 [sflag:s8], $0x0  }
0x24: {  	s3 =	sadd.s32 $0x88, s3;
	s6 =	simm.s32 @!p1 $0x1082;
	[sflag:s4] =	ssyncset.s32 $0xFFFFF086  }
0x25: {  	[simem:s6], [sflag:s4] =	dma.local [hbm:s3], $0xF7A  }
0x26: {  	[smem:$0x3F9F] =	sst s1;
	(tag) =	ssettag s2;
	_ =	strace s9  }
0x27: {  	s1 =	sld [smem:$0x3FAF]  }
0x28: {  	s2 =	sld [smem:$0x3FB0]  }
0x29: {  	s4 =	sld [smem:$0x3FB2]  }
0x2a: {  	p0 =	seq.s32 s5, $0x0;
	s5 =	sld [smem:$0x3FB3]  }
0x2b: {  	s6 =	sld [smem:$0x3FB4]  }
0x2c: {  	s7 =	sld [smem:$0x3FB5]  }
0x2d: {  	s3 =	simm.s32 $0x108;
	s8 =	sld [smem:$0x3FB6]  }
0x2e: {  	s3 =	simm.s32 @!p0 $0x1082;
	s9 =	sld [smem:$0x3FB7]  }
0x2f: {  	lr =	sadd.s32 s0, s3;
	s0 =	sld [smem:$0x3FAE]  }
0x30: {  	s3 =	sld [smem:$0x3FB1]  }
0x31: {  	[smem:$0x3FBA] =	sst s10  }
0x32: {  	s10 =	sld [smem:$0x3FB8];
	_ =	sdelay $0x3  }
0x33: {  	p0 =	seq.s32 s10, $0x1;
	s10 =	sld [smem:$0x3FBA];
	_ =	sdelay $0x3  }
0x34: {  	[smem:$0x3FBA] =	sst s10  }
0x35: {  	s10 =	sld [smem:$0x3FB9];
	_ =	sdelay $0x3  }
0x36: {  	p1 =	seq.s32 s10, $0x1;
	s10 =	sld [smem:$0x3FBA];
	_ =	sdelay $0x3  }
0x37: {  	[smem:$0x3FBA] =	sst s10  }
0x38: {  	s10 =	sld [smem:$0x3FBB]  }
0x39: {  	_ = 	snop;
	(pc) =	sbr.ind lr, $3  }
0x3a: {  	_ = 	snop  }
0x3b: {  	_ = 	snop  }
0x3c: {  	p2 =	seq.s32 s10, $0x1;
	s10 =	sld [smem:$0x3FBA]  }
0x3d: {  	_ =	shalt  }
0x3e: {  	_ =	shalt  }
0x3f: {  	_ =	shalt  }
0x40: {  	_ =	shalt  }
0x41: {  	_ =	shalt  }
0x42: {  	_ =	shalt  }
0x43: {  	_ =	shalt  }
0x44: {  	_ =	shalt  }
0x45: {  	_ =	shalt  }
0x46: {  	_ =	shalt  }
0x47: {  	_ =	shalt  }
0x48: {  	_ =	shalt  }
0x49: {  	_ =	shalt  }
0x4a: {  	_ =	shalt  }
0x4b: {  	_ =	shalt  }
0x4c: {  	_ =	shalt  }
0x4d: {  	_ =	shalt  }
0x4e: {  	_ =	shalt  }
0x4f: {  	_ =	shalt  }
0x50: {  	_ =	shalt  }
0x51: {  	_ =	shalt  }
0x52: {  	_ =	shalt  }
0x53: {  	_ =	shalt  }
0x54: {  	_ =	shalt  }
0x55: {  	_ =	shalt  }
0x56: {  	_ =	shalt  }
0x57: {  	_ =	shalt  }
0x58: {  	_ =	shalt  }
0x59: {  	_ =	shalt  }
0x5a: {  	_ =	shalt  }
0x5b: {  	_ =	shalt  }
0x5c: {  	_ =	shalt  }
0x5d: {  	_ =	shalt  }
0x5e: {  	_ =	shalt  }
0x5f: {  	_ =	shalt  }
0x60: {  	_ =	shalt  }
0x61: {  	_ =	shalt  }
0x62: {  	_ =	shalt  }
0x63: {  	_ =	shalt  }
0x64: {  	_ =	shalt  }
0x65: {  	_ =	shalt  }
0x66: {  	_ =	shalt  }
0x67: {  	_ =	shalt  }
0x68: {  	_ =	shalt  }
0x69: {  	_ =	shalt  }
0x6a: {  	_ =	shalt  }
0x6b: {  	_ =	shalt  }
0x6c: {  	_ =	shalt  }
0x6d: {  	_ =	shalt  }
0x6e: {  	_ =	shalt  }
0x6f: {  	_ =	shalt  }
0x70: {  	_ =	shalt  }
0x71: {  	_ =	shalt  }
0x72: {  	_ =	shalt  }
0x73: {  	_ =	shalt  }
0x74: {  	_ =	shalt  }
0x75: {  	_ =	shalt  }
0x76: {  	_ =	shalt  }
0x77: {  	_ =	shalt  }
0x78: {  	_ =	shalt  }
0x79: {  	_ =	shalt  }
0x7a: {  	_ =	shalt  }
0x7b: {  	_ =	shalt  }
0x7c: {  	_ =	shalt  }
0x7d: {  	_ =	shalt  }
0x7e: {  	_ =	shalt  }
0x7f: {  	_ =	shalt  }
0x80: {  	_ =	shalt  }
0x81: {  	_ =	shalt  }
0x82: {  	_ =	shalt  }
0x83: {  	_ =	shalt  }
0x84: {  	_ =	shalt  }
0x85: {  	_ =	shalt  }
0x86: {  	_ =	shalt  }
0x87: {  	_ =	shalt  }
.Lfunc_end0:
.L_simem_size_0:
called_computation.1_lowered:
.L_overlay_start_0:
0x88: {  	s2 =	sld [smem:$0x3FD9]  }
0x89: {  	s3 =	sld [smem:$0x3FFE];
	_ =	sdelay $0x1  }
0x8a: {  	s1 =	srdreg.scid  }
0x8b: {  	s0 =	sand.u32 $0x1, s1  }
0x8c: {  	s17 =	sshll.u32 s0, $0xA;
	s2 =	sadd.s32 s3, s2  }
0x8d: {  	s2 =	sadd.s32 s2, s17  }
0x8e: {  	[smem:$0x3FC6] =	sst s2  }
0x8f: {  	_ = 	snop  }
0x90: {  	s2 =	sld [smem:$0x3FD0];
	(tm) =	ssettm $0x1  }
0x91: {  	s18 =	sld [smem:$0x3FFB];
	_ =	sdelay $0x3  }
0x92: {  	_ =	strace s18  }
0x93: {  	s3 =	sld [smem:$0x3FFC];
	_ =	sdelay $0x3  }
0x94: {  	_ =	strace s3  }
0x95: {  	s3 =	sld [smem:$0x3FFD];
	_ =	sdelay $0x3  }
0x96: {  	_ =	strace s3  }
0x97: {  	_ =	strace $0x8FFFFFFF  }
0x98: {  	s19 =	sld [smem:$0x3FDB];
	_ =	sdelay $0x1  }
0x99: {  	s4 =	simm.s32 $_scs_section_size  }
0x9a: {  	s5 =	simm.s32 $_size__tile_overlayer_lowered;
	s6 =	simm.s32 $_tile_overlayer_lowered  }
0x9b: {  	s22 =	simm.s32 $0x1BFF;
	s21 =	sshll.u32 s6, $0x1;
	s3 =	sadd.s32 s4, s19  }
0x9c: {  	s7 =	simm.s32 $0x0;
	s20 =	sshll.u32 s5, $0x1;
	s5 =	sadd.s32 s21, s3  }
0x9d: {  	[timem:s7], [sflag:s22] =	dma.local [hbm:s5], s20  }
0x9e: {  	_ =	swait.ge [sflag:s22], s20  }
0x9f: {  	s4 =	ssub.s32 $0x0, s20;
	[sflag:s22] =	ssyncset.done $0x0  }
0xa0: {  	[sflag:s22] =	ssyncadd.s32 s4;
	_ =	sdelay $0x1  }
0xa1: {  	s23 =	simm.s32 $0x1B8B  }
0xa2: {  	_ =	swait.ge [sflag:s23], $0x1  }
0xa3: {  	[sflag:s23] =	ssyncset.done $0x0  }
0xa4: {  	s25 =	simm.s32 $0x1B8E;
	s24 =	sld [smem:$0x3FFE];
	[sflag:s23] =	ssyncadd.s32 $0xFFFFFFFF  }
0xa5: {  	s26 =	simm.s32 $execute0_lowered;
	[smem:$0x3FD2] =	sst s25  }
0xa6: {  	s5 =	sshll.u32 s26, $0x1;
	_ =	strace $0x80000046;
	[dreg:$0x1] =	wrdreg $0xFFFFFFFF  }
0xa7: {  	s28 =	simm.s32 $_size_execute0_lowered;
	s3 =	sadd.s32 s3, s5;
	[dreg:$0x0] =	wrdreg $0x0  }
0xa8: {  	s5 =	sshll.u32 s28, $0x1;
	[dreg:$0x2] =	wrdreg s3  }
0xa9: {  	[dreg:$0x3] =	wrdreg s5  }
0xaa: {  	[dreg:$0x4] =	wrdreg $0xC0  }
0xab: {  	_ =	task [dreg:s7], $0x5FFFF  }
0xac: {  	[dreg:$0x1] =	wrdreg $0xFFFFFFFF  }
0xad: {  	[dreg:$0x0] =	wrdreg $0x60  }
0xae: {  	[dreg:$0x2] =	wrdreg s24  }
0xaf: {  	[dreg:$0x3] =	wrdreg s2  }
0xb0: {  	[dreg:$0x4] =	wrdreg $0x9  }
0xb1: {  	_ =	task.clear_ibuf [dreg:s7], $0x5FFFF;
	_ =	strace $0x90000046  }
0xb2: {  	s29 =	simm.s32 $0x9;
	_ =	strace $0x80000048  }
0xb3: {  	_ =	swait.ge [sflag:s29], $0x1  }
0xb4: {  	[sflag:s29] =	ssyncadd.s32 $0xFFFFFFFF  }
0xb5: {  	_ =	strace $0x90000048  }
0xb6: {  	_ =	sfence  }
0xb7: {  	s30 =	sld [smem:$0x0];
	_ =	sdelay $0x2  }
0xb8: {  	s31 =	sshll.u32 s1, $0xD;
	s1 =	sshrl.u32 s1, $0x2  }
0xb9: {  	s3 =	sand.u32 $0x4000, s31;
	s1 =	sadd.s32 s1, s30  }
0xba: {  	s0 =	sor.u32 s3, s0;
	s1 =	sshll.u32 s1, $0x11  }
0xbb: {  	s0 =	sor.u32 s1, s0  }
0xbc: {  	s0 =	sadd.s32 $0x8F2B, s0  }
0xbd: {  	[sflag:s0] =	ssyncadd.remote.s32 $0x1  }
0xbe: {  	_ =	sfence.sel $0xFFFF  }
0xbf: {  	[dreg:$0x0] =	wrdreg $0xFFFFFFFF;
	(pc) =	sbr.abs _section_cstart, $3  }
0xc0: {  	[dreg:$0x1] =	wrdreg $0xFFFFFFFF  }
0xc1: {  	_ =	task.clear_ibuf [dreg:s7], $0x2FFFF;
	_ =	strace $0x9FFFFFFF  }
0xc2: {  	(tm) =	ssettm $0x7FFFFFFF  }
0xc3: {  	_ =	shalt  }
tec
execute0_lowered:
.L_overlay_start_1:
0x0: {  	(tag) =	ssettag $0x1  }
0x1: {  	s0 =	srdreg.scid;
	s1 =	rddreg [dreg:$0x0]  }
0x2: {  	s2 =	stileid.u32;
	s4 =	rddreg [dreg:$0x1]  }
0x3: {  	s6 =	simm.s32 $0x0;
	s18 =	simm.s32 $0x2580;
	s19 =	simm.s32 $0x190  }
0x4: {  	s20 =	simm.s32 $0x3E80;
	s21 =	simm.s32 $0x258;
	[smem:$0x7FF] =	sst s6  }
0x5: {  	s22 =	simm.s32 $0x5780;
	_ =	strace $0x80000047;
	[dreg:$0x5] =	wrdreg s18  }
0x6: {  	s24 =	simm.s32 $0x320;
	s25 =	simm.s32 $0x7080;
	[dreg:$0x6] =	wrdreg s19  }
0x7: {  	s26 =	simm.s32 $0x3E8;
	s9 =	simm.s32 $0x578;
	[dreg:$0x7] =	wrdreg s20  }
0x8: {  	s10 =	simm.s32 $0xBB80;
	s11 =	simm.s32 $0x708;
	[dreg:$0x8] =	wrdreg s21  }
0x9: {  	s28 =	simm.s32 $0xC;
	s31 =	simm.s32 $0xD;
	[dreg:$0x9] =	wrdreg s22  }
0xa: {  	s29 =	simm.s32 $0xE;
	s30 =	simm.s32 $0xF;
	[dreg:$0xa] =	wrdreg s24  }
0xb: {  	s0 =	sand.u32 $0x1, s0;
	s3 =	smul.u32 $0x32000, s2;
	[dreg:$0xb] =	wrdreg s25  }
0xc: {  	s12 =	sadd.s32 $0x800, s1;
	s8 =	sshll.u32 s2, $0x1;
	[dreg:$0xc] =	wrdreg s26  }
0xd: {  	s5 =	smul.u32 $0x19000, s0;
	s15 =	ssub.s32 $0x2, s0;
	[dreg:$0x10] =	wrdreg s9  }
0xe: {  	s8 =	sor.u32 s0, s8;
	s0 =	smul.u32 $0x64000, s0;
	[dreg:$0x11] =	wrdreg s10  }
0xf: {  	[dreg:$0x12] =	wrdreg s11;
	s10 =	simm.s32 $0xC8;
	s18 =	simm.s32 $0x960  }
0x10: {  	s9 =	simm.s32 $0xC80;
	s19 =	simm.s32 $0x13880;
	[dreg:$0x18] =	wrdreg s18  }
0x11: {  	s11 =	simm.s32 $0x4;
	s20 =	simm.s32 $0xA28;
	[dreg:$0x19] =	wrdreg s19  }
0x12: {  	s21 =	simm.s32 $0x15180;
	s22 =	simm.s32 $0xAF0;
	[dreg:$0x1a] =	wrdreg s20  }
0x13: {  	s24 =	simm.s32 $0xBB8;
	s26 =	simm.s32 $0xD480;
	[dreg:$0x1b] =	wrdreg s21  }
0x14: {  	s25 =	simm.s32 $0x18380;
	s17 =	sshrl.u32 s15, $0x1;
	[dreg:$0x1c] =	wrdreg s22  }
0x15: {  	s8 =	smul.u32 $0x19000, s8;
	s18 =	simm.s32 $0xA;
	[dreg:$0x1e] =	wrdreg s24  }
0x16: {  	s19 =	simm.s32 $0x2;
	[dreg:$0x1f] =	wrdreg s25;
	s21 =	simm.s32 $0xB  }
0x17: {  	s20 =	simm.s32 $0xE;
	s22 =	simm.s32 $0x8;
	s3 =	sadd.s32 s5, s3  }
0x18: {  	s24 =	simm.s32 $0xA;
	s25 =	simm.s32 $0x2;
	s5 =	sadd.s32 $0x12C0, s3  }
0x19: {  	s7 =	sor.u32 $0xC80, s3;
	s23 =	sshrl.u32 s8, $0x3;
	s8 =	simm.s32 $0xA280  }
0x1a: {  	s3 =	sadd.s32 $0xFA6C00, s1;
	s6 =	sadd.s32 s12, s23;
	[dreg:$0xf] =	wrdreg s8  }
0x1b: {  	s14 =	sshrl.u32 s7, $0x3;
	s7 =	simm.s32 $0x4B0;
	[smem:$0x7FA] =	sst s6  }
0x1c: {  	s5 =	sshrl.u32 s5, $0x3;
	s23 =	simm.s32 $0x16A80;
	[dreg:$0xe] =	wrdreg s7  }
0x1d: {  	s8 =	simm.s32 $0x1;
	s13 =	sadd.s32 s5, s12;
	[dreg:$0x1d] =	wrdreg s23  }
0x1e: {  	s16 =	sadd.s32 s14, s12;
	s5 =	ssub.s32 s15, s17;
	[dreg:$0x3] =	wrdreg s13  }
0x1f: {  	s6 =	sadd.s32 $0xC8, s6;
	s12 =	simm.s32 $0xED80;
	[dreg:$0x4] =	wrdreg s16  }
0x20: {  	s14 =	simm.s32 $0x7D0;
	s15 =	simm.s32 $0x10680;
	[smem:$0x7FB] =	sst s6  }
0x21: {  	s17 =	simm.s32 $0x11F80;
	s23 =	simm.s32 $0xF;
	[dreg:$0x13] =	wrdreg s12  }
0x22: {  	s5 =	smax.u32 s5, $0x1;
	s6 =	smul.u32 $0xC8000, s2;
	[dreg:$0x14] =	wrdreg s14  }
0x23: {  	s13 =	simm.s32 $0x640;
	s2 =	simm.s32 $0x3;
	[dreg:$0x15] =	wrdreg s15  }
0x24: {  	s16 =	simm.s32 $0x898;
	s12 =	simm.s32 $0x5;
	[dreg:$0x17] =	wrdreg s17  }
0x25: {  	s14 =	simm.s32 $0x6;
	s15 =	simm.s32 $0x7;
	[smem:$0x7FC] =	sst s5  }
0x26: {  	s5 =	simm.s32 $0x8980;
	[dreg:$0x16] =	wrdreg s16;
	s4 =	sadd.s32 s6, s4  }
0x27: {  	s17 =	simm.s32 $0x9;
	[dreg:$0xd] =	wrdreg s5;
	s0 =	sadd.s32 s0, s4  }
0x28: {  	s16 =	simm.s32 $0x8;
	s4 =	simm.s32 $0x0;
	[smem:$0x7FD] =	sst s0  }
.LBB2_1:
0x29: {  	s1 =	sld [smem:$0x7FA];
	_ =	sdelay $0x1  }
0x2a: {  	s0 =	simm.s32 $0x0;
	s5 =	sld [smem:$0x7FB]  }
0x2b: {  	[tilespmem:s0], [sflag:$0x1] =	stream.linear.gather [hbm4b:s1+s0], $0x640, $0x38;
	[tilespmem:$0x19C80] =	vst v63  }
0x2c: {  	[smem:$0x7F9] =	sst s4  }
0x2d: {  	[tilespmem:s13], [sflag:$0x2] =	stream.linear.gather [hbm4b:s5+s0], $0x640, $0x38;
	[tilespmem:$0x19C80] =	vst v63  }
0x2e: {  	_ =	swait.ge [sflag:s8], $0x640  }
0x2f: {  	p0 =	por $0x1, $0x1;
	[sflag:s8] =	ssyncset.done $0x0  }
0x30: {  	s1 =	simm.s32 @!p0 $0x13;
	[sflag:s8] =	ssyncadd.s32 $0xFFFFF9C0  }
0x31: {  	_ =	swait.ge @!p0 [sflag:s1], $0xC800  }
0x32: {  	s4 =	rddreg [dreg:$0xf]  }
0x33: {  	s5 =	rddreg [dreg:$0x6]  }
0x34: {  	[sflag:s1] =	ssyncset.done @!p0 $0x0;
	s6 =	rddreg [dreg:$0x5]  }
0x35: {  	s7 =	rddreg [dreg:$0x7];
	[sflag:s1] =	ssyncadd.s32 @!p0 $0xFFFF3800  }
0x36: {  	[tilespmem:s9], [sflag:$0x3] =	stream.indirect.gather [hbm4b:s3+s10], $0x20, s0, s10, $0xb8;
	[tilespmem:$0x19C80] =	vst v63  }
0x37: {  	s1 =	rddreg [dreg:$0x9]  }
0x38: {  	[tilespmem:s6], [sflag:$0x4] =	stream.indirect.gather [hbm4b:s3+s10], $0x20, s10, s10, $0xb8;
	[tilespmem:$0x19C80] =	vst v63  }
0x39: {  	s6 =	rddreg [dreg:$0x8]  }
0x3a: {  	[tilespmem:s7], [sflag:$0x5] =	stream.indirect.gather [hbm4b:s3+s10], $0x20, s5, s10, $0xb8;
	[tilespmem:$0x19C80] =	vst v63  }
0x3b: {  	s5 =	rddreg [dreg:$0xb]  }
0x3c: {  	s7 =	rddreg [dreg:$0xa]  }
0x3d: {  	[tilespmem:s1], [sflag:$0x6] =	stream.indirect.gather [hbm4b:s3+s10], $0x20, s6, s10, $0xb8;
	[tilespmem:$0x19C80] =	vst v63  }
0x3e: {  	s1 =	rddreg [dreg:$0xd]  }
0x3f: {  	s6 =	rddreg [dreg:$0xc]  }
0x40: {  	[tilespmem:s5], [sflag:$0x7] =	stream.indirect.gather [hbm4b:s3+s10], $0x20, s7, s10, $0xb8;
	[tilespmem:$0x19C80] =	vst v63  }
0x41: {  	s5 =	rddreg [dreg:$0xe]  }
0x42: {  	[tilespmem:s1], [sflag:$0x8] =	stream.indirect.gather [hbm4b:s3+s10], $0x20, s6, s10, $0xb8;
	[tilespmem:$0x19C80] =	vst v63  }
0x43: {  	s7 =	rddreg [dreg:$0x11]  }
0x44: {  	[tilespmem:s4], [sflag:$0x9] =	stream.indirect.gather [hbm4b:s3+s10], $0x20, s5, s10, $0xb8;
	[tilespmem:$0x19C80] =	vst v63  }
0x45: {  	s6 =	rddreg [dreg:$0x10]  }
0x46: {  	[tilespmem:s7], [sflag:$0xA] =	stream.indirect.gather [hbm4b:s3+s10], $0x20, s6, s10, $0xb8;
	[tilespmem:$0x19C80] =	vst v63  }
0x47: {  	_ =	swait.ge [sflag:s2], $0x1900  }
0x48: {  	[sflag:s2] =	ssyncset.done $0x0  }
0x49: {  	[sflag:s2] =	ssyncadd.s32 $0xFFFFE700  }
0x4a: {  	_ =	swait.ge [sflag:s11], $0x1900  }
0x4b: {  	[sflag:s11] =	ssyncset.done $0x0  }
0x4c: {  	[sflag:s11] =	ssyncadd.s32 $0xFFFFE700  }
0x4d: {  	_ =	swait.ge [sflag:s12], $0x1900  }
0x4e: {  	[sflag:s12] =	ssyncset.done $0x0  }
0x4f: {  	[sflag:s12] =	ssyncadd.s32 $0xFFFFE700  }
0x50: {  	_ =	swait.ge [sflag:s14], $0x1900  }
0x51: {  	[sflag:s14] =	ssyncset.done $0x0  }
0x52: {  	[sflag:s14] =	ssyncadd.s32 $0xFFFFE700  }
0x53: {  	_ =	swait.ge [sflag:s15], $0x1900  }
0x54: {  	[sflag:s15] =	ssyncset.done $0x0  }
0x55: {  	[sflag:s15] =	ssyncadd.s32 $0xFFFFE700  }
0x56: {  	_ =	swait.ge [sflag:s16], $0x1900  }
0x57: {  	[sflag:s16] =	ssyncset.done $0x0  }
0x58: {  	[sflag:s16] =	ssyncadd.s32 $0xFFFFE700  }
0x59: {  	_ =	swait.ge [sflag:s17], $0x1900  }
0x5a: {  	[sflag:s17] =	ssyncset.done $0x0  }
0x5b: {  	[sflag:s17] =	ssyncadd.s32 $0xFFFFE700  }
0x5c: {  	_ =	swait.ge [sflag:s18], $0x1900  }
0x5d: {  	s1 =	rddreg [dreg:$0x4]  }
0x5e: {  	p1 =	por $0x0, $0x0;
	[sflag:s18] =	ssyncset.done $0x0;
	s2 =	sld [smem:$0x7FD]  }
0x5f: {  	[sflag:s18] =	ssyncadd.s32 $0xFFFFE700;
	s4 =	sadd.s32 @!p1 $0x0, s1;
	s1 =	simm.s32 @!p1 $0x0  }
0x60: {  	[tilespmem:s1], [sflag:$0x1] =	stream.linear.gather @!p1 [hbm4b:s4+s1], $0x640, $0x38;
	[tilespmem:$0x19C80] =	vst v63  }
0x61: {  	_ = 	snop  }
0x62: {  	[hbm4b:s2+s0] =	stream.linear.scatter [tilespmem:s9], [sflag:$0x13], $0xC800, $0x38;
	[tilespmem:$0x19C80] =	vst v63  }
0x63: {  	_ =	swait.ge [sflag:s19], $0x640  }
0x64: {  	[sflag:s19] =	ssyncset.done $0x0  }
0x65: {  	s4 =	simm.s32 @!p0 $0x14;
	[sflag:s19] =	ssyncadd.s32 $0xFFFFF9C0  }
0x66: {  	_ =	swait.ge @!p0 [sflag:s4], $0xC800  }
0x67: {  	s17 =	rddreg [dreg:$0x15]  }
0x68: {  	s18 =	rddreg [dreg:$0x12]  }
0x69: {  	s19 =	rddreg [dreg:$0x13]  }
0x6a: {  	s0 =	rddreg [dreg:$0x14]  }
0x6b: {  	s6 =	rddreg [dreg:$0x17]  }
0x6c: {  	[sflag:s4] =	ssyncset.done @!p0 $0x0;
	s9 =	rddreg [dreg:$0x16]  }
0x6d: {  	s11 =	rddreg [dreg:$0x19];
	[sflag:s4] =	ssyncadd.s32 @!p0 $0xFFFF3800  }
0x6e: {  	[tilespmem:s26], [sflag:$0xB] =	stream.indirect.gather [hbm4b:s3+s10], $0x20, s13, s10, $0xb8;
	[tilespmem:$0x19C80] =	vst v63  }
0x6f: {  	s12 =	rddreg [dreg:$0x18]  }
0x70: {  	[tilespmem:s19], [sflag:$0xC] =	stream.indirect.gather [hbm4b:s3+s10], $0x20, s18, s10, $0xb8;
	[tilespmem:$0x19C80] =	vst v63  }
0x71: {  	s14 =	rddreg [dreg:$0x1a]  }
0x72: {  	[tilespmem:s17], [sflag:$0xD] =	stream.indirect.gather [hbm4b:s3+s10], $0x20, s0, s10, $0xb8;
	[tilespmem:$0x19C80] =	vst v63  }
0x73: {  	s15 =	rddreg [dreg:$0x1b]  }
0x74: {  	[tilespmem:s6], [sflag:$0xE] =	stream.indirect.gather [hbm4b:s3+s10], $0x20, s9, s10, $0xb8;
	[tilespmem:$0x19C80] =	vst v63  }
0x75: {  	s26 =	rddreg [dreg:$0x1e]  }
0x76: {  	[tilespmem:s11], [sflag:$0xF] =	stream.indirect.gather [hbm4b:s3+s10], $0x20, s12, s10, $0xb8;
	[tilespmem:$0x19C80] =	vst v63  }
0x77: {  	s18 =	rddreg [dreg:$0x1c]  }
0x78: {  	[tilespmem:s15], [sflag:$0x10] =	stream.indirect.gather [hbm4b:s3+s10], $0x20, s14, s10, $0xb8;
	[tilespmem:$0x19C80] =	vst v63  }
0x79: {  	s17 =	rddreg [dreg:$0x1d]  }
0x7a: {  	[tilespmem:s17], [sflag:$0x11] =	stream.indirect.gather [hbm4b:s3+s10], $0x20, s18, s10, $0xb8;
	[tilespmem:$0x19C80] =	vst v63  }
0x7b: {  	s19 =	rddreg [dreg:$0x1f]  }
0x7c: {  	[tilespmem:s19], [sflag:$0x12] =	stream.indirect.gather [hbm4b:s3+s10], $0x20, s26, s10, $0xb8;
	[tilespmem:$0x19C80] =	vst v63  }
0x7d: {  	_ =	swait.ge [sflag:s21], $0x1900  }
0x7e: {  	[sflag:s21] =	ssyncset.done $0x0  }
0x7f: {  	[sflag:s21] =	ssyncadd.s32 $0xFFFFE700  }
0x80: {  	_ =	swait.ge [sflag:s28], $0x1900  }
0x81: {  	[sflag:s28] =	ssyncset.done $0x0  }
0x82: {  	[sflag:s28] =	ssyncadd.s32 $0xFFFFE700  }
0x83: {  	_ =	swait.ge [sflag:s31], $0x1900  }
0x84: {  	[sflag:s31] =	ssyncset.done $0x0  }
0x85: {  	[sflag:s31] =	ssyncadd.s32 $0xFFFFE700  }
0x86: {  	_ =	swait.ge [sflag:s20], $0x1900  }
0x87: {  	[sflag:s20] =	ssyncset.done $0x0  }
0x88: {  	s16 =	simm.s32 $0x3;
	[sflag:s20] =	ssyncadd.s32 $0xFFFFE700  }
0x89: {  	s5 =	smov.u32 s2;
	s7 =	smov.u32 s2;
	_ =	swait.ge [sflag:s23], $0x1900  }
0x8a: {  	s4 =	simm.s32 $0x190;
	s6 =	simm.s32 $0x0;
	[sflag:s23] =	ssyncset.done $0x0  }
0x8b: {  	s17 =	simm.s32 $0x4;
	s31 =	simm.s32 $0x10;
	[sflag:s23] =	ssyncadd.s32 $0xFFFFE700  }
0x8c: {  	s18 =	simm.s32 $0x5;
	s19 =	simm.s32 $0x6;
	_ =	swait.ge [sflag:s31], $0x1900  }
0x8d: {  	s20 =	simm.s32 $0x7;
	s23 =	simm.s32 $0x9;
	[sflag:s31] =	ssyncset.done $0x0  }
.LBB2_2:
0x8e: {  	s15 =	simm.s32 $0x10  }
0x8f: {  	s0 =	simm.s32 $0x11;
	[sflag:s15] =	ssyncadd.s32 $0xFFFFE700  }
0x90: {  	_ =	swait.ge [sflag:s0], $0x1900  }
0x91: {  	[sflag:s0] =	ssyncset.done $0x0  }
0x92: {  	s2 =	simm.s32 $0x12;
	[sflag:s0] =	ssyncadd.s32 $0xFFFFE700  }
0x93: {  	_ =	swait.ge [sflag:s2], $0x1900  }
0x94: {  	s31 =	smov.u32 s4;
	s0 =	rddreg [dreg:$0x3];
	[sflag:s2] =	ssyncset.done $0x0  }
0x95: {  	[sflag:s2] =	ssyncadd.s32 $0xFFFFE700;
	s0 =	sadd.s32 @!p1 s6, s0;
	s6 =	simm.s32 @!p1 $0x640  }
0x96: {  	[tilespmem:s6], [sflag:$0x2] =	stream.linear.gather @!p1 [hbm4b:s0+s1], $0x640, $0x38;
	[tilespmem:$0x19C80] =	vst v63  }
0x97: {  	s12 =	simm.s32 $0x0;
	s28 =	simm.s32 $0xD480;
	s1 =	sadd.s32 $0x1900, s7  }
0x98: {  	[hbm4b:s1+s12] =	stream.linear.scatter [tilespmem:s28], [sflag:$0x14], $0xC800, $0x38;
	[tilespmem:$0x19C80] =	vst v63  }
0x99: {  	s6 =	smov.u32 s31;
	_ =	swait.ge [sflag:s8], $0x640  }
0x9a: {  	p2 =	seq.s32 s6, $0x0;
	[sflag:s8] =	ssyncset.done $0x0  }
0x9b: {  	s0 =	simm.s32 @!p2 $0x13;
	[sflag:s8] =	ssyncadd.s32 $0xFFFFF9C0  }
0x9c: {  	_ =	swait.ge @!p2 [sflag:s0], $0xC800  }
0x9d: {  	s1 =	rddreg [dreg:$0xf]  }
0x9e: {  	s31 =	rddreg [dreg:$0x6]  }
0x9f: {  	s2 =	rddreg [dreg:$0x5]  }
0xa0: {  	s11 =	rddreg [dreg:$0x9]  }
0xa1: {  	[sflag:s0] =	ssyncset.done @!p2 $0x0;
	s21 =	rddreg [dreg:$0x7]  }
0xa2: {  	s26 =	simm.s32 $0xC80;
	s14 =	rddreg [dreg:$0x8];
	[sflag:s0] =	ssyncadd.s32 @!p2 $0xFFFF3800  }
0xa3: {  	[tilespmem:s26], [sflag:$0x3] =	stream.indirect.gather [hbm4b:s3+s10], $0x20, s12, s10, $0xb8;
	[tilespmem:$0x19C80] =	vst v63  }
0xa4: {  	s9 =	rddreg [dreg:$0xa]  }
0xa5: {  	[tilespmem:s2], [sflag:$0x4] =	stream.indirect.gather [hbm4b:s3+s10], $0x20, s10, s10, $0xb8;
	[tilespmem:$0x19C80] =	vst v63  }
0xa6: {  	s8 =	rddreg [dreg:$0xd]  }
0xa7: {  	[tilespmem:s21], [sflag:$0x5] =	stream.indirect.gather [hbm4b:s3+s10], $0x20, s31, s10, $0xb8;
	[tilespmem:$0x19C80] =	vst v63  }
0xa8: {  	s0 =	rddreg [dreg:$0xb]  }
0xa9: {  	[tilespmem:s11], [sflag:$0x6] =	stream.indirect.gather [hbm4b:s3+s10], $0x20, s14, s10, $0xb8;
	[tilespmem:$0x19C80] =	vst v63  }
0xaa: {  	s21 =	rddreg [dreg:$0xc]  }
0xab: {  	[tilespmem:s0], [sflag:$0x7] =	stream.indirect.gather [hbm4b:s3+s10], $0x20, s9, s10, $0xb8;
	[tilespmem:$0x19C80] =	vst v63  }
0xac: {  	s14 =	rddreg [dreg:$0xe]  }
0xad: {  	[tilespmem:s8], [sflag:$0x8] =	stream.indirect.gather [hbm4b:s3+s10], $0x20, s21, s10, $0xb8;
	[tilespmem:$0x19C80] =	vst v63  }
0xae: {  	s11 =	rddreg [dreg:$0x10]  }
0xaf: {  	[tilespmem:s1], [sflag:$0x9] =	stream.indirect.gather [hbm4b:s3+s10], $0x20, s14, s10, $0xb8;
	[tilespmem:$0x19C80] =	vst v63  }
0xb0: {  	s9 =	rddreg [dreg:$0x11]  }
0xb1: {  	[tilespmem:s9], [sflag:$0xA] =	stream.indirect.gather [hbm4b:s3+s10], $0x20, s11, s10, $0xb8;
	[tilespmem:$0x19C80] =	vst v63  }
0xb2: {  	_ =	swait.ge [sflag:s16], $0x1900  }
0xb3: {  	[sflag:s16] =	ssyncset.done $0x0  }
0xb4: {  	[sflag:s16] =	ssyncadd.s32 $0xFFFFE700  }
0xb5: {  	_ =	swait.ge [sflag:s17], $0x1900  }
0xb6: {  	[sflag:s17] =	ssyncset.done $0x0  }
0xb7: {  	[sflag:s17] =	ssyncadd.s32 $0xFFFFE700  }
0xb8: {  	_ =	swait.ge [sflag:s18], $0x1900  }
0xb9: {  	[sflag:s18] =	ssyncset.done $0x0  }
0xba: {  	[sflag:s18] =	ssyncadd.s32 $0xFFFFE700  }
0xbb: {  	_ =	swait.ge [sflag:s19], $0x1900  }
0xbc: {  	[sflag:s19] =	ssyncset.done $0x0  }
0xbd: {  	[sflag:s19] =	ssyncadd.s32 $0xFFFFE700  }
0xbe: {  	_ =	swait.ge [sflag:s20], $0x1900  }
0xbf: {  	[sflag:s20] =	ssyncset.done $0x0  }
0xc0: {  	[sflag:s20] =	ssyncadd.s32 $0xFFFFE700  }
0xc1: {  	_ =	swait.ge [sflag:s22], $0x1900  }
0xc2: {  	[sflag:s22] =	ssyncset.done $0x0  }
0xc3: {  	[sflag:s22] =	ssyncadd.s32 $0xFFFFE700  }
0xc4: {  	_ =	swait.ge [sflag:s23], $0x1900  }
0xc5: {  	[sflag:s23] =	ssyncset.done $0x0  }
0xc6: {  	[sflag:s23] =	ssyncadd.s32 $0xFFFFE700  }
0xc7: {  	_ =	swait.ge [sflag:s24], $0x1900  }
0xc8: {  	p1 =	seq.s32 s6, $0x3070;
	s0 =	rddreg [dreg:$0x4];
	[sflag:s24] =	ssyncset.done $0x0  }
0xc9: {  	s1 =	simm.s32 @!p1 $0x0;
	[sflag:s24] =	ssyncadd.s32 $0xFFFFE700;
	s0 =	sadd.s32 @!p1 s6, s0  }
0xca: {  	[tilespmem:s1], [sflag:$0x1] =	stream.linear.gather @!p1 [hbm4b:s0+s1], $0x640, $0x38;
	[tilespmem:$0x19C80] =	vst v63  }
0xcb: {  	s5 =	sadd.s32 $0x3200, s5  }
0xcc: {  	[hbm4b:s5+s12] =	stream.linear.scatter [tilespmem:s26], [sflag:$0x13], $0xC800, $0x38;
	[tilespmem:$0x19C80] =	vst v63  }
0xcd: {  	_ =	swait.ge [sflag:s25], $0x640  }
0xce: {  	[sflag:s25] =	ssyncset.done $0x0  }
0xcf: {  	s0 =	simm.s32 @!p2 $0x14;
	[sflag:s25] =	ssyncadd.s32 $0xFFFFF9C0  }
0xd0: {  	_ =	swait.ge @!p2 [sflag:s0], $0xC800  }
0xd1: {  	s2 =	rddreg [dreg:$0x1f]  }
0xd2: {  	s8 =	rddreg [dreg:$0x1a]  }
0xd3: {  	s9 =	rddreg [dreg:$0x17]  }
0xd4: {  	s11 =	rddreg [dreg:$0x15]  }
0xd5: {  	s21 =	rddreg [dreg:$0x14]  }
0xd6: {  	[sflag:s0] =	ssyncset.done @!p2 $0x0;
	s31 =	rddreg [dreg:$0x12]  }
0xd7: {  	s12 =	rddreg [dreg:$0x13];
	[sflag:s0] =	ssyncadd.s32 @!p2 $0xFFFF3800  }
0xd8: {  	[tilespmem:s28], [sflag:$0xB] =	stream.indirect.gather [hbm4b:s3+s10], $0x20, s13, s10, $0xb8;
	[tilespmem:$0x19C80] =	vst v63  }
0xd9: {  	s0 =	rddreg [dreg:$0x1d]  }
0xda: {  	[tilespmem:s12], [sflag:$0xC] =	stream.indirect.gather [hbm4b:s3+s10], $0x20, s31, s10, $0xb8;
	[tilespmem:$0x19C80] =	vst v63  }
0xdb: {  	s13 =	rddreg [dreg:$0x19]  }
0xdc: {  	[tilespmem:s11], [sflag:$0xD] =	stream.indirect.gather [hbm4b:s3+s10], $0x20, s21, s10, $0xb8;
	[tilespmem:$0x19C80] =	vst v63  }
0xdd: {  	s12 =	rddreg [dreg:$0x16]  }
0xde: {  	[tilespmem:s9], [sflag:$0xE] =	stream.indirect.gather [hbm4b:s3+s10], $0x20, s12, s10, $0xb8;
	[tilespmem:$0x19C80] =	vst v63  }
0xdf: {  	s11 =	rddreg [dreg:$0x18]  }
0xe0: {  	[tilespmem:s13], [sflag:$0xF] =	stream.indirect.gather [hbm4b:s3+s10], $0x20, s11, s10, $0xb8;
	[tilespmem:$0x19C80] =	vst v63  }
0xe1: {  	s12 =	rddreg [dreg:$0x1b]  }
0xe2: {  	[tilespmem:s12], [sflag:$0x10] =	stream.indirect.gather [hbm4b:s3+s10], $0x20, s8, s10, $0xb8;
	[tilespmem:$0x19C80] =	vst v63  }
0xe3: {  	s11 =	rddreg [dreg:$0x1c]  }
0xe4: {  	[tilespmem:s0], [sflag:$0x11] =	stream.indirect.gather [hbm4b:s3+s10], $0x20, s11, s10, $0xb8;
	[tilespmem:$0x19C80] =	vst v63  }
0xe5: {  	s21 =	simm.s32 $0xB;
	s12 =	rddreg [dreg:$0x1e]  }
0xe6: {  	[tilespmem:s2], [sflag:$0x12] =	stream.indirect.gather [hbm4b:s3+s10], $0x20, s12, s10, $0xb8;
	[tilespmem:$0x19C80] =	vst v63  }
0xe7: {  	_ =	swait.ge [sflag:s21], $0x1900  }
0xe8: {  	[sflag:s21] =	ssyncset.done $0x0  }
0xe9: {  	s28 =	simm.s32 $0xC;
	[sflag:s21] =	ssyncadd.s32 $0xFFFFE700  }
0xea: {  	_ =	swait.ge [sflag:s28], $0x1900  }
0xeb: {  	[sflag:s28] =	ssyncset.done $0x0  }
0xec: {  	s31 =	simm.s32 $0xD;
	[sflag:s28] =	ssyncadd.s32 $0xFFFFE700  }
0xed: {  	_ =	swait.ge [sflag:s31], $0x1900  }
0xee: {  	[sflag:s31] =	ssyncset.done $0x0  }
0xef: {  	[sflag:s31] =	ssyncadd.s32 $0xFFFFE700  }
0xf0: {  	_ =	swait.ge [sflag:s29], $0x1900  }
0xf1: {  	s4 =	sadd.s32 $0x190, s4;
	[sflag:s29] =	ssyncset.done $0x0  }
0xf2: {  	p0 =	sne.s32 s4, $0x3200;
	[sflag:s29] =	ssyncadd.s32 $0xFFFFE700  }
.Ltmp0:
0xf3: {  	_ =	swait.ge [sflag:s30], $0x1900;
	(pc) =	sbr.rel @p0 .LBB2_2-.Ltmp0, $4  }
0xf4: {  	[sflag:s30] =	ssyncset.done $0x0  }
0xf5: {  	s7 =	smov.u32 s5;
	s14 =	simm.s32 $0x0;
	[sflag:s30] =	ssyncadd.s32 $0xFFFFE700  }
0xf6: {  	s26 =	simm.s32 $0xD480;
	s13 =	simm.s32 $0x640;
	_ =	swait.ge [sflag:s15], $0x1900  }
0xf7: {  	s8 =	simm.s32 $0x1;
	s0 =	simm.s32 $0x10;
	[sflag:s15] =	ssyncset.done $0x0  }
0xf8: {  	[sflag:s0] =	ssyncadd.s32 $0xFFFFE700;
	s17 =	simm.s32 $0x11  }
0xf9: {  	_ =	swait.ge [sflag:s17], $0x1900  }
0xfa: {  	[sflag:s17] =	ssyncset.done $0x0  }
0xfb: {  	s2 =	simm.s32 $0x12;
	[sflag:s17] =	ssyncadd.s32 $0xFFFFE700  }
0xfc: {  	_ =	swait.ge [sflag:s2], $0x1900  }
0xfd: {  	s0 =	rddreg [dreg:$0x3];
	[sflag:s2] =	ssyncset.done $0x0  }
0xfe: {  	[sflag:s2] =	ssyncadd.s32 $0xFFFFE700;
	s0 =	sadd.s32 @!p1 s6, s0;
	s2 =	simm.s32 @!p1 $0x640  }
0xff: {  	[tilespmem:s2], [sflag:$0x2] =	stream.linear.gather @!p1 [hbm4b:s0+s1], $0x640, $0x38;
	[tilespmem:$0x19C80] =	vst v63  }
0x100: {  	s18 =	sadd.s32 $0x1900, s7;
	s19 =	simm.s32 $0x13  }
0x101: {  	[hbm4b:s18+s14] =	stream.linear.scatter [tilespmem:s26], [sflag:$0x14], $0xC800, $0x38;
	[tilespmem:$0x19C80] =	vst v63  }
0x102: {  	_ =	swait.ge [sflag:s19], $0xC800  }
0x103: {  	[sflag:s19] =	ssyncset.done $0x0  }
0x104: {  	s20 =	simm.s32 $0x14;
	[sflag:s19] =	ssyncadd.s32 $0xFFFF3800  }
0x105: {  	_ =	swait.ge [sflag:s20], $0xC800  }
0x106: {  	s4 =	sld [smem:$0x7F9]  }
0x107: {  	s23 =	sld [smem:$0x7FC];
	_ =	sdelay $0x1  }
0x108: {  	s4 =	sadd.s32 $0x1, s4  }
0x109: {  	p0 =	sne.s32 s4, s23  }
.Ltmp1:
0x10a: {  	s9 =	simm.s32 $0xC80;
	s11 =	simm.s32 $0x4;
	(pc) =	sbr.rel @p0 .LBB2_1-.Ltmp1, $4  }
0x10b: {  	s12 =	simm.s32 $0x5;
	s15 =	simm.s32 $0x7;
	s16 =	simm.s32 $0x8  }
0x10c: {  	s17 =	simm.s32 $0x9;
	s2 =	simm.s32 $0x3;
	s14 =	simm.s32 $0x6  }
0x10d: {  	s18 =	simm.s32 $0xA;
	s19 =	simm.s32 $0x2;
	[sflag:s20] =	ssyncset.done $0x0  }
0x10e: {  	[sflag:s20] =	ssyncadd.s32 $0xFFFF3800;
	s20 =	simm.s32 $0xE;
	s23 =	simm.s32 $0xF  }
0x10f: {  	_ =	sfence.sel $0x180000  }
0x110: {  	[bflag:$0x0] =	sbarrier.arrive $0xFFFF  }
0x111: {  	_ =	strace $0x90000047  }
0x112: {  	s0 =	stileid.u32;
	[bflag:$0x2] =	sbarrier.arrive $0xFFFF  }
0x113: {  	p0 =	sne.s32 s0, $0x0;
	s0 =	rddreg [dreg:$0x2]  }
0x114: {  	s0 =	sadd.s32 @!p0 $0x100000, s0  }
0x115: {  	[sflag:s0] =	ssyncadd.tile.s32 @!p0 $0x1;
	_ =	shalt  }
.Lfunc_end2:
_tile_overlayer_lowered:
.L_overlay_start_2:
0x116: {  	(tag) =	ssettag $0x2  }
0x117: {  	s0 =	rddreg [dreg:$0x0];
	s2 =	stileid.u32  }
0x118: {  	s1 =	rddreg [dreg:$0x1];
	p0 =	sne.s32 s2, $0x0  }
0x119: {  	s3 =	rddreg [dreg:$0x2];
	[bflag:$0x3] =	sbarrier.arrive $0xFFFF;
	s2 =	simm.s32 @!p0 $0x1C15  }
0x11a: {  	[timem:s3], [sflag:s2] =	dma.local @!p0 [hbm:s0], s1  }
0x11b: {  	s0 =	simm.s32 @!p0 $0x15  }
0x11c: {  	_ =	swait.ge @!p0 [sflag:s0], s1  }
0x11d: {  	s1 =	ssub.s32 @!p0 $0x0, s1;
	[sflag:s0] =	ssyncset.done @!p0 $0x0  }
0x11e: {  	[sflag:s0] =	ssyncadd.s32 @!p0 s1  }
0x11f: {  	[bflag:$0x3] =	sbarrier.arrive $0xFFFF  }
0x120: {  	_ =	shalt  }

// kernel: sparse-core-data-format-call.cloned.1.call-start
scs
called_computation_lowered:
.L_overlay_start_0:
0x0: {  	s2 =	sld [smem:$0x3FD9]  }
0x1: {  	s3 =	sld [smem:$0x3FFE];
	_ =	sdelay $0x1  }
0x2: {  	s1 =	srdreg.scid  }
0x3: {  	s0 =	sand.u32 $0x1, s1  }
0x4: {  	s18 =	sshll.u32 s0, $0xA;
	s2 =	sadd.s32 s3, s2  }
0x5: {  	s2 =	sadd.s32 s2, s18  }
0x6: {  	[smem:$0x3FC6] =	sst s2  }
0x7: {  	_ = 	snop  }
0x8: {  	s2 =	sld [smem:$0x3FD0];
	(tm) =	ssettm $0x1  }
0x9: {  	s19 =	sld [smem:$0x3FFB];
	_ =	sdelay $0x3  }
0xa: {  	_ =	strace s19  }
0xb: {  	s3 =	sld [smem:$0x3FFC];
	_ =	sdelay $0x3  }
0xc: {  	_ =	strace s3  }
0xd: {  	s3 =	sld [smem:$0x3FFD];
	_ =	sdelay $0x3  }
0xe: {  	_ =	strace s3  }
0xf: {  	_ =	strace $0x8FFFFFFF  }
0x10: {  	s20 =	sld [smem:$0x3FDB];
	_ =	sdelay $0x1  }
0x11: {  	s4 =	simm.s32 $_scs_section_size  }
0x12: {  	s5 =	simm.s32 $_size__tile_overlayer_lowered;
	s6 =	simm.s32 $_tile_overlayer_lowered  }
0x13: {  	s23 =	simm.s32 $0x1BFF;
	s22 =	sshll.u32 s6, $0x1;
	s3 =	sadd.s32 s4, s20  }
0x14: {  	s7 =	simm.s32 $0x0;
	s21 =	sshll.u32 s5, $0x1;
	s5 =	sadd.s32 s22, s3  }
0x15: {  	[timem:s7], [sflag:s23] =	dma.local [hbm:s5], s21  }
0x16: {  	_ =	swait.ge [sflag:s23], s21  }
0x17: {  	s4 =	ssub.s32 $0x0, s21;
	[sflag:s23] =	ssyncset.done $0x0  }
0x18: {  	[sflag:s23] =	ssyncadd.s32 s4;
	_ =	sdelay $0x1  }
0x19: {  	s24 =	simm.s32 $0x1B8B  }
0x1a: {  	_ =	swait.ge [sflag:s24], $0x1  }
0x1b: {  	[sflag:s24] =	ssyncset.done $0x0  }
0x1c: {  	s26 =	simm.s32 $0x1B8E;
	s25 =	sld [smem:$0x3FFE];
	[sflag:s24] =	ssyncadd.s32 $0xFFFFFFFF  }
0x1d: {  	s27 =	simm.s32 $execute0_lowered;
	[smem:$0x3FD2] =	sst s26  }
0x1e: {  	s5 =	sshll.u32 s27, $0x1;
	_ =	strace $0x80000049;
	[dreg:$0x1] =	wrdreg $0xFFFFFFFF  }
0x1f: {  	s28 =	simm.s32 $_size_execute0_lowered;
	s3 =	sadd.s32 s3, s5;
	[dreg:$0x0] =	wrdreg $0x0  }
0x20: {  	s5 =	sshll.u32 s28, $0x1;
	[dreg:$0x2] =	wrdreg s3  }
0x21: {  	[dreg:$0x3] =	wrdreg s5  }
0x22: {  	[dreg:$0x4] =	wrdreg $0xC0  }
0x23: {  	_ =	task [dreg:s7], $0x5FFFF  }
0x24: {  	[dreg:$0x1] =	wrdreg $0xFFFFFFFF  }
0x25: {  	[dreg:$0x0] =	wrdreg $0x60  }
0x26: {  	[dreg:$0x2] =	wrdreg s25  }
0x27: {  	[dreg:$0x3] =	wrdreg s2  }
0x28: {  	[dreg:$0x4] =	wrdreg $0x9  }
0x29: {  	_ =	task.clear_ibuf [dreg:s7], $0x5FFFF;
	_ =	strace $0x90000049  }
0x2a: {  	s29 =	simm.s32 $0x9;
	_ =	strace $0x8000004B  }
0x2b: {  	_ =	swait.ge [sflag:s29], $0x1  }
0x2c: {  	[sflag:s29] =	ssyncadd.s32 $0xFFFFFFFF  }
0x2d: {  	_ =	strace $0x9000004B  }
0x2e: {  	_ =	sfence  }
0x2f: {  	s30 =	sld [smem:$0x0];
	_ =	sdelay $0x2  }
0x30: {  	s31 =	sshll.u32 s1, $0xD;
	s1 =	sshrl.u32 s1, $0x2  }
0x31: {  	s3 =	sand.u32 $0x4000, s31;
	s1 =	sadd.s32 s1, s30  }
0x32: {  	s0 =	sor.u32 s3, s0;
	s1 =	sshll.u32 s1, $0x11  }
0x33: {  	s0 =	sor.u32 s1, s0  }
0x34: {  	s0 =	sadd.s32 $0x8F2B, s0  }
0x35: {  	[sflag:s0] =	ssyncadd.remote.s32 $0x1  }
0x36: {  	_ =	sfence.sel $0xFFFF  }
0x37: {  	[dreg:$0x0] =	wrdreg $0xFFFFFFFF;
	(pc) =	sbr.abs _section_cstart, $3  }
0x38: {  	[dreg:$0x1] =	wrdreg $0xFFFFFFFF  }
0x39: {  	_ =	task.clear_ibuf [dreg:s7], $0x2FFFF;
	_ =	strace $0x9FFFFFFF  }
0x3a: {  	(tm) =	ssettm $0x7FFFFFFF  }
0x3b: {  	_ =	shalt  }
tec
execute0_lowered:
.L_overlay_start_1:
0x0: {  	(tag) =	ssettag $0x1  }
0x1: {  	s0 =	srdreg.scid  }
0x2: {  	s1 =	sshll.u32 s0, $0x4  }
0x3: {  	s0 =	stileid.u32;
	s1 =	sand.u32 $0x10, s1  }
0x4: {  	s1 =	sor.u32 s0, s1  }
0x5: {  	s6 =	rddreg [dreg:$0x0];
	s4 =	simm.s32 $0x1;
	s2 =	sshll.u32 s1, $0x7  }
0x6: {  	s7 =	simm.s32 $0x2;
	s12 =	simm.s32 $0x0;
	s1 =	ssub.s32 $0x4000, s2  }
0x7: {  	s8 =	simm.s32 $0x20000;
	s13 =	simm.s32 $0x0;
	s3 =	sand.u32 $0xF80, s1  }
0x8: {  	s9 =	simm.s32 $0x0;
	s5 =	sshrl.u32 s1, $0xC;
	p0 =	sne.s32 s3, $0x0  }
.Ltmp0:
0x9: {  	s1 =	rddreg [dreg:$0x2];
	s4 =	simm.s32 @!p0 $0x0;
	(pc) =	sbr.rel .LBB1_1-.Ltmp0, $4  }
0xa: {  	s11 =	simm.s32 $0x0;
	s3 =	rddreg [dreg:$0x1];
	s5 =	sadd.s32 s4, s5  }
0xb: {  	_ =	strace $0x8000004A;
	s4 =	simm.s32 $0x1;
	s5 =	smul.u32 $0xC8, s5  }
0xc: {  	s6 =	sadd.s32 $0x800, s6;
	s10 =	smov.u32 s2;
	[sflag:s4] =	ssyncpa.u1 $0x0  }
0xd: {  	p0 =	por $0x0, $0x0;
	[sflag:s7] =	ssyncpa.u1 $0x0;
	s7 =	sor.u32 $0x1, s5  }
.LBB1_4:
0xe: {  	s16 =	sshll.u32 s13, $0x3;
	s17 =	sand.u32 $0x78, s13  }
0xf: {  	s30 =	sand.u32 $0xF800, s13;
	s12 =	sshll.u32 s12, $0x10;
	s16 =	sand.u32 $0x3C00, s16  }
0x10: {  	s31 =	sand.u32 $0x7, s13;
	s16 =	sor.u32 s17, s16;
	s17 =	sadd.s32 s3, s30  }
0x11: {  	s13 =	sshll.u32 s31, $0x12;
	s16 =	sshrl.u32 s16, $0x3;
	s12 =	sadd.s32 s12, s17  }
0x12: {  	[tilespmem:s15+$0x0 ss:$0x81] =	vst.msk $0xffff, v0;
	s13 =	sor.u32 $0x400, s13;
	s12 =	sadd.s32 s16, s12  }
0x13: {  	[hbm4b:s12+s13] =	stream.strided.scatter [tilespmem:s14], [sflag:$0x2], $0x1000, s8, s13, $0x20;
	[tilespmem:$0x4040] =	vst v63  }
.LBB1_5:
0x14: {  	s14 =	sadd.s32 $0x1, s9  }
0x15: {  	s12 =	sadd.s32 $0x1000, s10;
	s16 =	smov.u32 s10;
	p2 =	sgt.s32 s14, $0xC7  }
0x16: {  	s16 =	smov.u32 @p2 s12  }
0x17: {  	s14 =	simm.s32 @p2 $0x0;
	p2 =	sgt.s32 s16, $0x3FFF  }
0x18: {  	s16 =	smov.u32 @p2 s2;
	p2 =	sne.s32 s11, s7  }
.Ltmp1:
0x19: {  	p1 =	slt.u32 s11, $0x2;
	(pc) =	sbr.rel @!p2 .LBB1_6-.Ltmp1, $4  }
0x1a: {  	s15 =	simm.s32 @!p1 $0x2  }
0x1b: {  	s13 =	smov.u32 s10;
	p0 =	por !p0, !p0;
	_ =	swait.ge @!p1 [sflag:s15], $0x1000  }
0x1c: {  	s12 =	smov.u32 s9;
	[sflag:s15] =	ssyncset.done @!p1 $0x0;
	s9 =	smov.u32 s14  }
0x1d: {  	s11 =	sadd.s32 $0x1, s11;
	[sflag:s15] =	ssyncadd.s32 @!p1 $0xFFFFF000;
	s10 =	smov.u32 s16  }
.LBB1_1:
0x1e: {  	p1 =	sge.u32 s11, s5  }
0x1f: {  	s14 =	sand.u32 @!p1 $0x1FFFFFF, s9  }
0x20: {  	s15 =	smulhi.u32 @!p1 $0x147AE15, s14;
	_ =	sdelay $0x1  }
0x21: {  	s15 =	smul.u32 @!p1 $0xC8, s15  }
0x22: {  	s16 =	sxor.u32 @!p1 $0xFFFFFFFF, s11;
	s17 =	smul.u32 @!p1 $0xC80, s10  }
0x23: {  	s31 =	sadd.s32 $0xFFFFFFFF, s11;
	s16 =	sshll.u32 @!p1 s16, $0xC;
	s14 =	ssub.s32 @!p1 s14, s15  }
0x24: {  	s15 =	sand.u32 @!p1 $0x1000, s16;
	s16 =	sadd.s32 @!p1 s6, s17;
	s14 =	sshll.u32 @!p1 s14, $0x4  }
0x25: {  	s17 =	simm.s32 @!p1 $0x6400;
	s14 =	sadd.s32 @!p1 s14, s16;
	s16 =	simm.s32 @!p1 $0x20  }
0x26: {  	[tilespmem:s15], [sflag:$0x1] =	stream.strided.gather @!p1 [hbm4b:s14+s16], $0x1000, s17, s16, $0x38;
	[tilespmem:$0x4040] =	vst v63  }
0x27: {  	p1 =	sge.u32 s31, s5  }
.Ltmp2:
0x28: {  	_ = 	snop;
	(pc) =	sbr.rel @p1 .LBB1_5-.Ltmp2, $1  }
0x29: {  	_ =	sdelay $0x3  }
0x2a: {  	s14 =	simm.s32 $0x1  }
0x2b: {  	_ =	swait.ge [sflag:s4], $0x1000;
	s14 =	simm.s32 @!p0 $0x0  }
0x2c: {  	[sflag:s4] =	ssyncset.done $0x0;
	s15 =	sshll.u32 s14, $0xC  }
0x2d: {  	[sflag:s4] =	ssyncadd.s32 $0xFFFFF000;
	s18 =	sor.u32 $0x10, s15  }
0x2e: {  	s14 =	smul.u32 $0x4080, s14;
	v1 =	vld [tilespmem:s18+$0x0]  }
0x2f: {  	s30 =	sand.u32 $0x1, s11;
	v0 =	vld [tilespmem:s18+$0xFFFFFFF0]  }
0x30: {  	s15 =	smul.u32 $0x4080, s30;
	s14 =	sshrl.u32 s14, $0x2  }
0x31: {  	s16 =	sor.u32 $0x2000, s14  }
0x32: {  	s31 =	sshrl.u32 s15, $0x2;
	s15 =	sadd.s32 $0x0, s16  }
0x33: {  	s17 =	simm.s32 $0x4;
	s18 =	sadd.s32 $0x20, s18;
	s14 =	sor.u32 $0x2000, s31;
	[tilespmem:s15+$0x810 ss:$0x81] =	vst.msk $0xffff, v1  }
.LBB1_3:
0x34: {  	v1 =	vld [tilespmem:s18+$0x0];
	p1 =	sne.s32 s17, $0x1FC;
	[tilespmem:s15+$0x0 ss:$0x81] =	vst.msk $0xffff, v0;
	s15 =	smov.u32 s17;
	s17 =	sadd.s32 $0x4, s17  }
.Ltmp3:
0x35: {  	v0 =	vld [tilespmem:s18+$0xFFFFFFF0];
	(pc) =	sbr.rel @p1 .LBB1_3-.Ltmp3, $4  }
0x36: {  	_ = 	snop  }
0x37: {  	s15 =	sshra.s32 s15, $0x2  }
0x38: {  	s15 =	sadd.s32 s15, s16  }
0x39: {  	s18 =	sadd.s32 $0x20, s18;
	[tilespmem:s15+$0x810 ss:$0x81] =	vst.msk $0xffff, v1  }
.Ltmp4:
0x3a: {  	_ = 	snop;
	(pc) =	sbr.rel .LBB1_4-.Ltmp4, $1  }
0x3b: {  	_ =	sdelay $0x3  }
.LBB1_6:
0x3c: {  	_ =	sfence.sel $0x180000  }
0x3d: {  	s2 =	simm.s32 $0x1;
	[bflag:$0x0] =	sbarrier.arrive $0xFFFF  }
0x3e: {  	s31 =	simm.s32 $0x2;
	[sflag:s2] =	ssyncpa.u1 $0x1  }
0x3f: {  	[sflag:s31] =	ssyncpa.u1 $0x1  }
0x40: {  	p0 =	sne.s32 s0, $0x0;
	_ =	strace $0x9000004A  }
0x41: {  	s0 =	sadd.s32 @!p0 $0x100000, s1;
	[bflag:$0x2] =	sbarrier.arrive $0xFFFF  }
0x42: {  	[sflag:s0] =	ssyncadd.tile.s32 @!p0 $0x1;
	_ =	shalt  }
.Lfunc_end1:
_tile_overlayer_lowered:
.L_overlay_start_2:
0x43: {  	(tag) =	ssettag $0x2  }
0x44: {  	s0 =	rddreg [dreg:$0x0];
	s2 =	stileid.u32  }
0x45: {  	s1 =	rddreg [dreg:$0x1];
	p0 =	sne.s32 s2, $0x0  }
0x46: {  	s3 =	rddreg [dreg:$0x2];
	[bflag:$0x3] =	sbarrier.arrive $0xFFFF;
	s2 =	simm.s32 @!p0 $0x1C01  }
0x47: {  	[timem:s3], [sflag:s2] =	dma.local @!p0 [hbm:s0], s1  }
0x48: {  	s0 =	simm.s32 @!p0 $0x1  }
0x49: {  	_ =	swait.ge @!p0 [sflag:s0], s1  }
0x4a: {  	s1 =	ssub.s32 @!p0 $0x0, s1;
	[sflag:s0] =	ssyncset.done @!p0 $0x0  }
0x4b: {  	[sflag:s0] =	ssyncadd.s32 @!p0 s1  }
0x4c: {  	[bflag:$0x3] =	sbarrier.arrive $0xFFFF  }
0x4d: {  	_ =	shalt  }

</sc_bundles>
